<compile_context>
chip_gen: v7x
topology: tpu7x:2x2x1
jax: 0.10.2.dev20260603
libtpu: 0.0.44.dev20260713+nightly
codegen_flags: <defaults>
</compile_context>

<pallas_src>
import functools

import jax
import jax.numpy as jnp
from jax import lax
from jax.experimental import pallas as pl
from jax.experimental.pallas import tpu as pltpu
from jax.experimental.pallas import tpu_sc as plsc

NUM_STATES = 128
NUM_OBS = 100000
BATCH = 16384

NW = 32
B_PER_W = BATCH // NW
NS = 4
RB = 5000
NRB = NUM_OBS // NS // RB
CHR = 100
SB = 4096


def _lse_body(*refs):
    stream_refs = refs[:NS]
    lse_ref, sm_ref = refs[NS], refs[NS + 1]
    i = pl.program_id(0)

    @pl.when(i == 0)
    def _():
        sm_ref[...] = jnp.zeros((CHR, NUM_STATES), jnp.float32)

    acc = sm_ref[...]
    for c in range(RB // CHR):
        for r in stream_refs:
            acc = acc + jnp.exp(r[c * CHR:(c + 1) * CHR, :])
    sm_ref[...] = acc

    @pl.when(i == NRB - 1)
    def _():
        lse_ref[...] = jnp.log(
            jnp.sum(sm_ref[...], axis=0, keepdims=True)
        )


def _lse(mt):
    return pl.pallas_call(
        _lse_body,
        grid=(NRB,),
        in_specs=[
            pl.BlockSpec(
                (RB, NUM_STATES),
                functools.partial(lambda s, i: (i + s * NRB, 0), s),
            )
            for s in range(NS)
        ],
        out_specs=pl.BlockSpec((1, NUM_STATES), lambda i: (0, 0)),
        out_shape=jax.ShapeDtypeStruct((1, NUM_STATES), jnp.float32),
        scratch_shapes=[
            pltpu.VMEM((CHR, NUM_STATES), jnp.float32),
        ],
    )(*([mt] * NS))


def _make_gather_sub():
    mesh = plsc.VectorSubcoreMesh(core_axis_name="c", subcore_axis_name="s")

    @functools.partial(
        pl.kernel,
        mesh=mesh,
        out_type=jax.ShapeDtypeStruct((BATCH, NUM_STATES), jnp.float32),
        scratch_types=[
            pltpu.VMEM((B_PER_W,), jnp.int32),
            pltpu.VMEM((B_PER_W, NUM_STATES), jnp.float32),
            pltpu.VMEM((NUM_STATES,), jnp.float32),
            pltpu.SemaphoreType.DMA,
        ],
    )
    def gather_k(mt_hbm, obs_hbm, lse_hbm, out_hbm, idx_v, rows_v, lse_v, sem):
        wid = lax.axis_index("s") * 2 + lax.axis_index("c")
        base = wid * B_PER_W

        pltpu.sync_copy(obs_hbm.at[pl.ds(base, B_PER_W)], idx_v)
        pltpu.sync_copy(lse_hbm, lse_v)
        pltpu.async_copy(mt_hbm.at[idx_v], rows_v, sem).wait()

        lse_regs = [lse_v[pl.ds(v * 16, 16)] for v in range(NUM_STATES // 16)]

        def body(r, carry):
            for v, lreg in enumerate(lse_regs):
                sl = pl.ds(v * 16, 16)
                rows_v[r, sl] = rows_v[r, sl] - lreg
            return carry

        lax.fori_loop(0, B_PER_W, body, 0)
        pltpu.sync_copy(rows_v, out_hbm.at[pl.ds(base, B_PER_W)])

    return gather_k


_gather_sub = _make_gather_sub()


def kernel(observation, emission_logits_matrix):
    obs = observation.astype(jnp.int32)
    mt = emission_logits_matrix.T
    lse = _lse(mt).reshape((NUM_STATES,))
    return _gather_sub(mt, obs, lse)

# --- scband reference (transcript-rebuilt; emitter-appended) ---
"""Pipeline reference for scband-matrix-observation-model-43765716746858 (READ-ONLY COPY).

The authoritative reference and input builder live on the scoring server;
editing this copy changes nothing except your own understanding.
"""

import jax, jax.numpy as jnp
import numpy as np

NUM_STATES = 128
NUM_OBSERVATIONS = 100000
BATCH = 16384


def setup_inputs(seed: int = 0) -> dict:
    key = jax.random.key(seed)
    k_obs, k_mat = jax.random.split(key)
    observation = jax.random.randint(k_obs, (BATCH,), 0, NUM_OBSERVATIONS, dtype=jnp.int64 if jax.config.jax_enable_x64 else jnp.int32)
    emission_logits_matrix = jax.random.normal(k_mat, (NUM_STATES, NUM_OBSERVATIONS), dtype=jnp.float32)
    return {"observation": observation, "emission_logits_matrix": emission_logits_matrix}


def reference(observation, emission_logits_matrix):
    # Categorical(logits=M).logits normalizes: M - logsumexp(M, axis=-1, keepdims=True)
    log_prob = emission_logits_matrix - jax.scipy.special.logsumexp(
        emission_logits_matrix, axis=-1, keepdims=True
    )
    # log_prob[:, observation] -> [num_states, batch]; transpose -> [batch, num_states]
    gathered = jnp.take(log_prob, observation, axis=1)
    return gathered.T

if __name__ == "__main__":
    import jax
    _d = setup_inputs()
    print(jax.jit(kernel)(*tuple(_d.values())))

</pallas_src>

<mosaic_0001>
#map = affine_map<(d0, d1) -> (0, 0)>
#map1 = affine_map<(d0, d1) -> (0)>
module attributes {stable_mosaic.version = 14 : i64} {
  func.func @gather_k(%arg0: i32, %arg1: i32, %arg2: memref<100000x128xf32, #tpu.memory_space<hbm>>, %arg3: memref<16384xi32, #tpu.memory_space<hbm>>, %arg4: memref<128xf32, #tpu.memory_space<hbm>>, %arg5: memref<16384x128xf32, #tpu.memory_space<hbm>>, %arg6: memref<512xi32, #tpu.memory_space<vmem>>, %arg7: memref<512x128xf32, #tpu.memory_space<vmem>>, %arg8: memref<128xf32, #tpu.memory_space<vmem>>, %arg9: memref<!tpu.dma_semaphore, #tpu.memory_space<semaphore_mem>>) attributes {dimension_semantics = [#tpu.dimension_semantics<core_parallel>, #tpu.dimension_semantics<subcore_parallel>], iteration_bounds = array<i64: 2, 16>, scalar_prefetch = 0 : i64, scratch_operands = 4 : i64, tpu.core_type = #tpu.core_type<sc_vector_subcore>, window_params = [{transform_indices = #map}, {transform_indices = #map1}, {transform_indices = #map1}, {transform_indices = #map}]} {
    %mul3A = arith.constant 2 : i32
    %mul3A_0 = arith.muli %arg1, %mul3A : i32
    %add3A = arith.addi %mul3A_0, %arg0 : i32
    %mul3A_1 = arith.constant 512 : i32
    %mul3A_2 = arith.muli %add3A, %mul3A_1 : i32
    "tpu.region"() ({
      %run_scoped3A = tpu.sem_alloc : memref<!tpu.dma_semaphore, #tpu.memory_space<semaphore_mem>>
      %dma_start3A_35 = tpu.memref_slice %arg3[%mul3A_2] : memref<16384xi32, #tpu.memory_space<hbm>> -> memref<512xi32, #tpu.memory_space<hbm>>
      %dma_start3A_36 = tpu.memref_slice %arg3[%mul3A_2] : memref<16384xi32, #tpu.memory_space<hbm>> -> memref<512xi32, #tpu.memory_space<hbm>>
      tpu.enqueue_dma source(%dma_start3A_36 : memref<512xi32, #tpu.memory_space<hbm>>) target(%arg6 : memref<512xi32, #tpu.memory_space<vmem>>) target_semaphore(%run_scoped3A : memref<!tpu.dma_semaphore, #tpu.memory_space<semaphore_mem>>)
      %dma_wait3A_37 = tpu.memref_slice %arg3[%mul3A_2] : memref<16384xi32, #tpu.memory_space<hbm>> -> memref<512xi32, #tpu.memory_space<hbm>>
      %dma_wait3A_38 = tpu.memref_slice %arg3[%mul3A_2] : memref<16384xi32, #tpu.memory_space<hbm>> -> memref<512xi32, #tpu.memory_space<hbm>>
      tpu.wait_dma2 semaphore(%run_scoped3A : memref<!tpu.dma_semaphore, #tpu.memory_space<semaphore_mem>>) src(%dma_wait3A_38 : memref<512xi32, #tpu.memory_space<hbm>>) dst(%arg6 : memref<512xi32, #tpu.memory_space<vmem>>)
      tpu.yield
    }) : () -> ()
    "tpu.region"() ({
      %run_scoped3A = tpu.sem_alloc : memref<!tpu.dma_semaphore, #tpu.memory_space<semaphore_mem>>
      tpu.enqueue_dma source(%arg4 : memref<128xf32, #tpu.memory_space<hbm>>) target(%arg8 : memref<128xf32, #tpu.memory_space<vmem>>) target_semaphore(%run_scoped3A : memref<!tpu.dma_semaphore, #tpu.memory_space<semaphore_mem>>)
      tpu.wait_dma2 semaphore(%run_scoped3A : memref<!tpu.dma_semaphore, #tpu.memory_space<semaphore_mem>>) src(%arg4 : memref<128xf32, #tpu.memory_space<hbm>>) dst(%arg8 : memref<128xf32, #tpu.memory_space<vmem>>)
      tpu.yield
    }) : () -> ()
    %dma_start3A = arith.constant 0 : i32
    %dma_start3A_3 = arith.constant 0 : i32
    %dma_start3A_4 = tpu.memref_slice %arg2[%dma_start3A, %dma_start3A_3] : memref<100000x128xf32, #tpu.memory_space<hbm>> -> memref<100000x128xf32, #tpu.memory_space<hbm>>
    tpu.enqueue_indirect_dma source(%dma_start3A_4 : memref<100000x128xf32, #tpu.memory_space<hbm>>) target(%arg7 : memref<512x128xf32, #tpu.memory_space<vmem>>) offsets(%arg6 : memref<512xi32, #tpu.memory_space<vmem>>) semaphore(%arg9 : memref<!tpu.dma_semaphore, #tpu.memory_space<semaphore_mem>>)
    %dma_wait3A = arith.constant 0 : i32
    %dma_wait3A_5 = arith.constant 0 : i32
    %dma_wait3A_6 = tpu.memref_slice %arg2[%dma_wait3A, %dma_wait3A_5] : memref<100000x128xf32, #tpu.memory_space<hbm>> -> memref<100000x128xf32, #tpu.memory_space<hbm>>
    tpu.wait_indirect_dma semaphore(%arg9 : memref<!tpu.dma_semaphore, #tpu.memory_space<semaphore_mem>>) src(%dma_wait3A_6 : memref<100000x128xf32, #tpu.memory_space<hbm>>) dst(%arg7 : memref<512x128xf32, #tpu.memory_space<vmem>>)
    %get3A = arith.constant 0 : index
    %get3A_7 = tpu.vector_load %arg8[%get3A] {strides = array<i32>} : memref<128xf32, #tpu.memory_space<vmem>>, vector<16xf32>,
    %get3A_8 = vector.shape_cast %get3A_7 : vector<16xf32> to vector<16xf32>
    %get3A_9 = arith.constant 16 : index
    %get3A_10 = tpu.vector_load %arg8[%get3A_9] {strides = array<i32>} : memref<128xf32, #tpu.memory_space<vmem>>, vector<16xf32>,
    %get3A_11 = vector.shape_cast %get3A_10 : vector<16xf32> to vector<16xf32>
    %get3A_12 = arith.constant 32 : index
    %get3A_13 = tpu.vector_load %arg8[%get3A_12] {strides = array<i32>} : memref<128xf32, #tpu.memory_space<vmem>>, vector<16xf32>,
    %get3A_14 = vector.shape_cast %get3A_13 : vector<16xf32> to vector<16xf32>
    %get3A_15 = arith.constant 48 : index
    %get3A_16 = tpu.vector_load %arg8[%get3A_15] {strides = array<i32>} : memref<128xf32, #tpu.memory_space<vmem>>, vector<16xf32>,
    %get3A_17 = vector.shape_cast %get3A_16 : vector<16xf32> to vector<16xf32>
    %get3A_18 = arith.constant 64 : index
    %get3A_19 = tpu.vector_load %arg8[%get3A_18] {strides = array<i32>} : memref<128xf32, #tpu.memory_space<vmem>>, vector<16xf32>,
    %get3A_20 = vector.shape_cast %get3A_19 : vector<16xf32> to vector<16xf32>
    %get3A_21 = arith.constant 80 : index
    %get3A_22 = tpu.vector_load %arg8[%get3A_21] {strides = array<i32>} : memref<128xf32, #tpu.memory_space<vmem>>, vector<16xf32>,
    %get3A_23 = vector.shape_cast %get3A_22 : vector<16xf32> to vector<16xf32>
    %get3A_24 = arith.constant 96 : index
    %get3A_25 = tpu.vector_load %arg8[%get3A_24] {strides = array<i32>} : memref<128xf32, #tpu.memory_space<vmem>>, vector<16xf32>,
    %get3A_26 = vector.shape_cast %get3A_25 : vector<16xf32> to vector<16xf32>
    %get3A_27 = arith.constant 112 : index
    %get3A_28 = tpu.vector_load %arg8[%get3A_27] {strides = array<i32>} : memref<128xf32, #tpu.memory_space<vmem>>, vector<16xf32>,
    %get3A_29 = vector.shape_cast %get3A_28 : vector<16xf32> to vector<16xf32>
    %scan3A = arith.constant 0 : i32
    %scan3A_30 = arith.constant 0 : i32
    %scan3A_31 = arith.constant 512 : i32
    %scan3A_32 = arith.addi %scan3A_30, %scan3A_31 : i32
    %scan3A_33 = arith.constant 1 : i32
    scf.for %scan3A_35 = %scan3A_30 to %scan3A_32 step %scan3A_33  : i32 {
      %get3A_36 = arith.index_cast %scan3A_35 : i32 to index
      %get3A_37 = arith.constant 0 : index
      %get3A_38 = tpu.vector_load %arg7[%get3A_36, %get3A_37] {strides = array<i32>} : memref<512x128xf32, #tpu.memory_space<vmem>>, vector<1x16xf32>,
      %get3A_39 = vector.shape_cast %get3A_38 : vector<1x16xf32> to vector<16xf32>
      %sub3A = arith.subf %get3A_39, %get3A_8 : vector<16xf32>
      %swap3A = arith.index_cast %scan3A_35 : i32 to index
      %swap3A_40 = arith.constant 0 : index
      %swap3A_41 = tpu.vector_load %arg7[%swap3A, %swap3A_40] {strides = array<i32>} : memref<512x128xf32, #tpu.memory_space<vmem>>, vector<1x16xf32>,
      %swap3A_42 = vector.shape_cast %swap3A_41 : vector<1x16xf32> to vector<16xf32>
      %swap3A_43 = vector.shape_cast %sub3A : vector<16xf32> to vector<1x16xf32>
      tpu.vector_store %arg7[%swap3A, %swap3A_40], %swap3A_43 {strides = array<i32>} : memref<512x128xf32, #tpu.memory_space<vmem>>, vector<1x16xf32>,
      %get3A_44 = arith.index_cast %scan3A_35 : i32 to index
      %get3A_45 = arith.constant 16 : index
      %get3A_46 = tpu.vector_load %arg7[%get3A_44, %get3A_45] {strides = array<i32>} : memref<512x128xf32, #tpu.memory_space<vmem>>, vector<1x16xf32>,
      %get3A_47 = vector.shape_cast %get3A_46 : vector<1x16xf32> to vector<16xf32>
      %sub3A_48 = arith.subf %get3A_47, %get3A_11 : vector<16xf32>
      %swap3A_49 = arith.index_cast %scan3A_35 : i32 to index
      %swap3A_50 = arith.constant 16 : index
      %swap3A_51 = tpu.vector_load %arg7[%swap3A_49, %swap3A_50] {strides = array<i32>} : memref<512x128xf32, #tpu.memory_space<vmem>>, vector<1x16xf32>,
      %swap3A_52 = vector.shape_cast %swap3A_51 : vector<1x16xf32> to vector<16xf32>
      %swap3A_53 = vector.shape_cast %sub3A_48 : vector<16xf32> to vector<1x16xf32>
      tpu.vector_store %arg7[%swap3A_49, %swap3A_50], %swap3A_53 {strides = array<i32>} : memref<512x128xf32, #tpu.memory_space<vmem>>, vector<1x16xf32>,
      %get3A_54 = arith.index_cast %scan3A_35 : i32 to index
      %get3A_55 = arith.constant 32 : index
      %get3A_56 = tpu.vector_load %arg7[%get3A_54, %get3A_55] {strides = array<i32>} : memref<512x128xf32, #tpu.memory_space<vmem>>, vector<1x16xf32>,
      %get3A_57 = vector.shape_cast %get3A_56 : vector<1x16xf32> to vector<16xf32>
      %sub3A_58 = arith.subf %get3A_57, %get3A_14 : vector<16xf32>
      %swap3A_59 = arith.index_cast %scan3A_35 : i32 to index
      %swap3A_60 = arith.constant 32 : index
      %swap3A_61 = tpu.vector_load %arg7[%swap3A_59, %swap3A_60] {strides = array<i32>} : memref<512x128xf32, #tpu.memory_space<vmem>>, vector<1x16xf32>,
      %swap3A_62 = vector.shape_cast %swap3A_61 : vector<1x16xf32> to vector<16xf32>
      %swap3A_63 = vector.shape_cast %sub3A_58 : vector<16xf32> to vector<1x16xf32>
      tpu.vector_store %arg7[%swap3A_59, %swap3A_60], %swap3A_63 {strides = array<i32>} : memref<512x128xf32, #tpu.memory_space<vmem>>, vector<1x16xf32>,
      %get3A_64 = arith.index_cast %scan3A_35 : i32 to index
      %get3A_65 = arith.constant 48 : index
      %get3A_66 = tpu.vector_load %arg7[%get3A_64, %get3A_65] {strides = array<i32>} : memref<512x128xf32, #tpu.memory_space<vmem>>, vector<1x16xf32>,
      %get3A_67 = vector.shape_cast %get3A_66 : vector<1x16xf32> to vector<16xf32>
      %sub3A_68 = arith.subf %get3A_67, %get3A_17 : vector<16xf32>
      %swap3A_69 = arith.index_cast %scan3A_35 : i32 to index
      %swap3A_70 = arith.constant 48 : index
      %swap3A_71 = tpu.vector_load %arg7[%swap3A_69, %swap3A_70] {strides = array<i32>} : memref<512x128xf32, #tpu.memory_space<vmem>>, vector<1x16xf32>,
      %swap3A_72 = vector.shape_cast %swap3A_71 : vector<1x16xf32> to vector<16xf32>
      %swap3A_73 = vector.shape_cast %sub3A_68 : vector<16xf32> to vector<1x16xf32>
      tpu.vector_store %arg7[%swap3A_69, %swap3A_70], %swap3A_73 {strides = array<i32>} : memref<512x128xf32, #tpu.memory_space<vmem>>, vector<1x16xf32>,
      %get3A_74 = arith.index_cast %scan3A_35 : i32 to index
      %get3A_75 = arith.constant 64 : index
      %get3A_76 = tpu.vector_load %arg7[%get3A_74, %get3A_75] {strides = array<i32>} : memref<512x128xf32, #tpu.memory_space<vmem>>, vector<1x16xf32>,
      %get3A_77 = vector.shape_cast %get3A_76 : vector<1x16xf32> to vector<16xf32>
      %sub3A_78 = arith.subf %get3A_77, %get3A_20 : vector<16xf32>
      %swap3A_79 = arith.index_cast %scan3A_35 : i32 to index
      %swap3A_80 = arith.constant 64 : index
      %swap3A_81 = tpu.vector_load %arg7[%swap3A_79, %swap3A_80] {strides = array<i32>} : memref<512x128xf32, #tpu.memory_space<vmem>>, vector<1x16xf32>,
      %swap3A_82 = vector.shape_cast %swap3A_81 : vector<1x16xf32> to vector<16xf32>
      %swap3A_83 = vector.shape_cast %sub3A_78 : vector<16xf32> to vector<1x16xf32>
      tpu.vector_store %arg7[%swap3A_79, %swap3A_80], %swap3A_83 {strides = array<i32>} : memref<512x128xf32, #tpu.memory_space<vmem>>, vector<1x16xf32>,
      %get3A_84 = arith.index_cast %scan3A_35 : i32 to index
      %get3A_85 = arith.constant 80 : index
      %get3A_86 = tpu.vector_load %arg7[%get3A_84, %get3A_85] {strides = array<i32>} : memref<512x128xf32, #tpu.memory_space<vmem>>, vector<1x16xf32>,
      %get3A_87 = vector.shape_cast %get3A_86 : vector<1x16xf32> to vector<16xf32>
      %sub3A_88 = arith.subf %get3A_87, %get3A_23 : vector<16xf32>
      %swap3A_89 = arith.index_cast %scan3A_35 : i32 to index
      %swap3A_90 = arith.constant 80 : index
      %swap3A_91 = tpu.vector_load %arg7[%swap3A_89, %swap3A_90] {strides = array<i32>} : memref<512x128xf32, #tpu.memory_space<vmem>>, vector<1x16xf32>,
      %swap3A_92 = vector.shape_cast %swap3A_91 : vector<1x16xf32> to vector<16xf32>
      %swap3A_93 = vector.shape_cast %sub3A_88 : vector<16xf32> to vector<1x16xf32>
      tpu.vector_store %arg7[%swap3A_89, %swap3A_90], %swap3A_93 {strides = array<i32>} : memref<512x128xf32, #tpu.memory_space<vmem>>, vector<1x16xf32>,
      %get3A_94 = arith.index_cast %scan3A_35 : i32 to index
      %get3A_95 = arith.constant 96 : index
      %get3A_96 = tpu.vector_load %arg7[%get3A_94, %get3A_95] {strides = array<i32>} : memref<512x128xf32, #tpu.memory_space<vmem>>, vector<1x16xf32>,
      %get3A_97 = vector.shape_cast %get3A_96 : vector<1x16xf32> to vector<16xf32>
      %sub3A_98 = arith.subf %get3A_97, %get3A_26 : vector<16xf32>
      %swap3A_99 = arith.index_cast %scan3A_35 : i32 to index
      %swap3A_100 = arith.constant 96 : index
      %swap3A_101 = tpu.vector_load %arg7[%swap3A_99, %swap3A_100] {strides = array<i32>} : memref<512x128xf32, #tpu.memory_space<vmem>>, vector<1x16xf32>,
      %swap3A_102 = vector.shape_cast %swap3A_101 : vector<1x16xf32> to vector<16xf32>
      %swap3A_103 = vector.shape_cast %sub3A_98 : vector<16xf32> to vector<1x16xf32>
      tpu.vector_store %arg7[%swap3A_99, %swap3A_100], %swap3A_103 {strides = array<i32>} : memref<512x128xf32, #tpu.memory_space<vmem>>, vector<1x16xf32>,
      %get3A_104 = arith.index_cast %scan3A_35 : i32 to index
      %get3A_105 = arith.constant 112 : index
      %get3A_106 = tpu.vector_load %arg7[%get3A_104, %get3A_105] {strides = array<i32>} : memref<512x128xf32, #tpu.memory_space<vmem>>, vector<1x16xf32>,
      %get3A_107 = vector.shape_cast %get3A_106 : vector<1x16xf32> to vector<16xf32>
      %sub3A_108 = arith.subf %get3A_107, %get3A_29 : vector<16xf32>
      %swap3A_109 = arith.index_cast %scan3A_35 : i32 to index
      %swap3A_110 = arith.constant 112 : index
      %swap3A_111 = tpu.vector_load %arg7[%swap3A_109, %swap3A_110] {strides = array<i32>} : memref<512x128xf32, #tpu.memory_space<vmem>>, vector<1x16xf32>,
      %swap3A_112 = vector.shape_cast %swap3A_111 : vector<1x16xf32> to vector<16xf32>
      %swap3A_113 = vector.shape_cast %sub3A_108 : vector<16xf32> to vector<1x16xf32>
      tpu.vector_store %arg7[%swap3A_109, %swap3A_110], %swap3A_113 {strides = array<i32>} : memref<512x128xf32, #tpu.memory_space<vmem>>, vector<1x16xf32>,
    }
    %scan3A_34 = arith.constant 512 : i32
    "tpu.region"() ({
      %run_scoped3A = tpu.sem_alloc : memref<!tpu.dma_semaphore, #tpu.memory_space<semaphore_mem>>
      %dma_start3A_35 = arith.constant 0 : i32
      %dma_start3A_36 = tpu.memref_slice %arg5[%mul3A_2, %dma_start3A_35] : memref<16384x128xf32, #tpu.memory_space<hbm>> -> memref<512x128xf32, #tpu.memory_space<hbm>>
      %dma_start3A_37 = arith.constant 0 : i32
      %dma_start3A_38 = tpu.memref_slice %arg5[%mul3A_2, %dma_start3A_37] : memref<16384x128xf32, #tpu.memory_space<hbm>> -> memref<512x128xf32, #tpu.memory_space<hbm>>
      tpu.enqueue_dma source(%arg7 : memref<512x128xf32, #tpu.memory_space<vmem>>) target(%dma_start3A_38 : memref<512x128xf32, #tpu.memory_space<hbm>>) target_semaphore(%run_scoped3A : memref<!tpu.dma_semaphore, #tpu.memory_space<semaphore_mem>>)
      %dma_wait3A_39 = arith.constant 0 : i32
      %dma_wait3A_40 = tpu.memref_slice %arg5[%mul3A_2, %dma_wait3A_39] : memref<16384x128xf32, #tpu.memory_space<hbm>> -> memref<512x128xf32, #tpu.memory_space<hbm>>
      %dma_wait3A_41 = arith.constant 0 : i32
      %dma_wait3A_42 = tpu.memref_slice %arg5[%mul3A_2, %dma_wait3A_41] : memref<16384x128xf32, #tpu.memory_space<hbm>> -> memref<512x128xf32, #tpu.memory_space<hbm>>
      tpu.wait_dma2 semaphore(%run_scoped3A : memref<!tpu.dma_semaphore, #tpu.memory_space<semaphore_mem>>) src(%arg7 : memref<512x128xf32, #tpu.memory_space<vmem>>) dst(%dma_wait3A_42 : memref<512x128xf32, #tpu.memory_space<hbm>>)
      tpu.yield
    }) : () -> ()
    return
  }
}

module attributes {stable_mosaic.version = 14 : i64} {
  func.func @_lse_body(%arg0: i32, %arg1: memref<5000x128xf32, #tpu.memory_space<vmem>>, %arg2: memref<5000x128xf32, #tpu.memory_space<vmem>>, %arg3: memref<5000x128xf32, #tpu.memory_space<vmem>>, %arg4: memref<5000x128xf32, #tpu.memory_space<vmem>>, %arg5: memref<1x128xf32, #tpu.memory_space<vmem>>, %arg6: memref<100x128xf32, #tpu.memory_space<vmem>>) attributes {dimension_semantics = [#tpu.dimension_semantics<arbitrary>], iteration_bounds = array<i64: 5>, scalar_prefetch = 0 : i64, scratch_operands = 1 : i64, tpu.core_type = #tpu.core_type<tc>, window_params = [{transform_indices = @transform_0, window_bounds = array<i64: 5000, 128>}, {transform_indices = @transform_1, window_bounds = array<i64: 5000, 128>}, {transform_indices = @transform_2, window_bounds = array<i64: 5000, 128>}, {transform_indices = @transform_3, window_bounds = array<i64: 5000, 128>}, {pipeline_mode = #tpu.pipeline_mode<synchronous>, transform_indices = @transform_4, window_bounds = array<i64: 1, 128>}]} {
    %eq3A = arith.constant 0 : i32
    %eq3A_0 = arith.cmpi eq, %arg0, %eq3A : i32
    %convert_element_type3A = arith.extui %eq3A_0 : i1 to i32
    %cond3A = arith.constant 0 : i32
    %cond3A_1 = arith.cmpi ne, %convert_element_type3A, %cond3A : i32
    scf.if %cond3A_1 {
      %broadcast_in_dim3A = arith.constant 0.000000e+00 : f32
      %broadcast_in_dim3A_1009 = vector.broadcast %broadcast_in_dim3A : f32 to vector<100x128xf32>
      %swap3A_1010 = arith.constant 0 : index
      %swap3A_1011 = arith.constant 0 : index
      %swap3A_1012 = vector.load %arg6[%swap3A_1010, %swap3A_1011] : memref<100x128xf32, #tpu.memory_space<vmem>>, vector<100x128xf32>
      tpu.vector_store %arg6[%swap3A_1010, %swap3A_1011], %broadcast_in_dim3A_1009 {strides = array<i32>} : memref<100x128xf32, #tpu.memory_space<vmem>>, vector<100x128xf32>,
    } else {
    }
    %get3A = arith.constant 0 : index
    %get3A_2 = arith.constant 0 : index
    %get3A_3 = vector.load %arg6[%get3A, %get3A_2] : memref<100x128xf32, #tpu.memory_space<vmem>>, vector<100x128xf32>
    %get3A_4 = arith.constant 0 : index
    %get3A_5 = arith.constant 0 : index
    %get3A_6 = vector.load %arg1[%get3A_4, %get3A_5] : memref<5000x128xf32, #tpu.memory_space<vmem>>, vector<100x128xf32>
    %exp3A = math.exp %get3A_6 : vector<100x128xf32>
    %add3A = arith.addf %get3A_3, %exp3A : vector<100x128xf32>
    %get3A_7 = arith.constant 0 : index
    %get3A_8 = arith.constant 0 : index
    %get3A_9 = vector.load %arg2[%get3A_7, %get3A_8] : memref<5000x128xf32, #tpu.memory_space<vmem>>, vector<100x128xf32>
    %exp3A_10 = math.exp %get3A_9 : vector<100x128xf32>
    %add3A_11 = arith.addf %add3A, %exp3A_10 : vector<100x128xf32>
    %get3A_12 = arith.constant 0 : index
    %get3A_13 = arith.constant 0 : index
    %get3A_14 = vector.load %arg3[%get3A_12, %get3A_13] : memref<5000x128xf32, #tpu.memory_space<vmem>>, vector<100x128xf32>
    %exp3A_15 = math.exp %get3A_14 : vector<100x128xf32>
    %add3A_16 = arith.addf %add3A_11, %exp3A_15 : vector<100x128xf32>
    %get3A_17 = arith.constant 0 : index
    %get3A_18 = arith.constant 0 : index
    %get3A_19 = vector.load %arg4[%get3A_17, %get3A_18] : memref<5000x128xf32, #tpu.memory_space<vmem>>, vector<100x128xf32>
    %exp3A_20 = math.exp %get3A_19 : vector<100x128xf32>
    %add3A_21 = arith.addf %add3A_16, %exp3A_20 : vector<100x128xf32>
    %get3A_22 = arith.constant 100 : index
    %get3A_23 = arith.constant 0 : index
    %get3A_24 = vector.load %arg1[%get3A_22, %get3A_23] : memref<5000x128xf32, #tpu.memory_space<vmem>>, vector<100x128xf32>
    %exp3A_25 = math.exp %get3A_24 : vector<100x128xf32>
    %add3A_26 = arith.addf %add3A_21, %exp3A_25 : vector<100x128xf32>
    %get3A_27 = arith.constant 100 : index
    %get3A_28 = arith.constant 0 : index
    %get3A_29 = vector.load %arg2[%get3A_27, %get3A_28] : memref<5000x128xf32, #tpu.memory_space<vmem>>, vector<100x128xf32>
    %exp3A_30 = math.exp %get3A_29 : vector<100x128xf32>
    %add3A_31 = arith.addf %add3A_26, %exp3A_30 : vector<100x128xf32>
    %get3A_32 = arith.constant 100 : index
    %get3A_33 = arith.constant 0 : index
    %get3A_34 = vector.load %arg3[%get3A_32, %get3A_33] : memref<5000x128xf32, #tpu.memory_space<vmem>>, vector<100x128xf32>
    %exp3A_35 = math.exp %get3A_34 : vector<100x128xf32>
    %add3A_36 = arith.addf %add3A_31, %exp3A_35 : vector<100x128xf32>
    %get3A_37 = arith.constant 100 : index
    %get3A_38 = arith.constant 0 : index
    %get3A_39 = vector.load %arg4[%get3A_37, %get3A_38] : memref<5000x128xf32, #tpu.memory_space<vmem>>, vector<100x128xf32>
    %exp3A_40 = math.exp %get3A_39 : vector<100x128xf32>
    %add3A_41 = arith.addf %add3A_36, %exp3A_40 : vector<100x128xf32>
    %get3A_42 = arith.constant 200 : index
    %get3A_43 = arith.constant 0 : index
    %get3A_44 = vector.load %arg1[%get3A_42, %get3A_43] : memref<5000x128xf32, #tpu.memory_space<vmem>>, vector<100x128xf32>
    %exp3A_45 = math.exp %get3A_44 : vector<100x128xf32>
    %add3A_46 = arith.addf %add3A_41, %exp3A_45 : vector<100x128xf32>
    %get3A_47 = arith.constant 200 : index
    %get3A_48 = arith.constant 0 : index
    %get3A_49 = vector.load %arg2[%get3A_47, %get3A_48] : memref<5000x128xf32, #tpu.memory_space<vmem>>, vector<100x128xf32>
    %exp3A_50 = math.exp %get3A_49 : vector<100x128xf32>
    %add3A_51 = arith.addf %add3A_46, %exp3A_50 : vector<100x128xf32>
    %get3A_52 = arith.constant 200 : index
    %get3A_53 = arith.constant 0 : index
    %get3A_54 = vector.load %arg3[%get3A_52, %get3A_53] : memref<5000x128xf32, #tpu.memory_space<vmem>>, vector<100x128xf32>
    %exp3A_55 = math.exp %get3A_54 : vector<100x128xf32>
    %add3A_56 = arith.addf %add3A_51, %exp3A_55 : vector<100x128xf32>
    %get3A_57 = arith.constant 200 : index
    %get3A_58 = arith.constant 0 : index
    %get3A_59 = vector.load %arg4[%get3A_57, %get3A_58] : memref<5000x128xf32, #tpu.memory_space<vmem>>, vector<100x128xf32>
    %exp3A_60 = math.exp %get3A_59 : vector<100x128xf32>
    %add3A_61 = arith.addf %add3A_56, %exp3A_60 : vector<100x128xf32>
    %get3A_62 = arith.constant 300 : index
    %get3A_63 = arith.constant 0 : index
    %get3A_64 = vector.load %arg1[%get3A_62, %get3A_63] : memref<5000x128xf32, #tpu.memory_space<vmem>>, vector<100x128xf32>
    %exp3A_65 = math.exp %get3A_64 : vector<100x128xf32>
    %add3A_66 = arith.addf %add3A_61, %exp3A_65 : vector<100x128xf32>
    %get3A_67 = arith.constant 300 : index
    %get3A_68 = arith.constant 0 : index
    %get3A_69 = vector.load %arg2[%get3A_67, %get3A_68] : memref<5000x128xf32, #tpu.memory_space<vmem>>, vector<100x128xf32>
    %exp3A_70 = math.exp %get3A_69 : vector<100x128xf32>
    %add3A_71 = arith.addf %add3A_66, %exp3A_70 : vector<100x128xf32>
    %get3A_72 = arith.constant 300 : index
    %get3A_73 = arith.constant 0 : index
    %get3A_74 = vector.load %arg3[%get3A_72, %get3A_73] : memref<5000x128xf32, #tpu.memory_space<vmem>>, vector<100x128xf32>
    %exp3A_75 = math.exp %get3A_74 : vector<100x128xf32>
    %add3A_76 = arith.addf %add3A_71, %exp3A_75 : vector<100x128xf32>
    %get3A_77 = arith.constant 300 : index
    %get3A_78 = arith.constant 0 : index
    %get3A_79 = vector.load %arg4[%get3A_77, %get3A_78] : memref<5000x128xf32, #tpu.memory_space<vmem>>, vector<100x128xf32>
    %exp3A_80 = math.exp %get3A_79 : vector<100x128xf32>
    %add3A_81 = arith.addf %add3A_76, %exp3A_80 : vector<100x128xf32>
    %get3A_82 = arith.constant 400 : index
    %get3A_83 = arith.constant 0 : index
    %get3A_84 = vector.load %arg1[%get3A_82, %get3A_83] : memref<5000x128xf32, #tpu.memory_space<vmem>>, vector<100x128xf32>
    %exp3A_85 = math.exp %get3A_84 : vector<100x128xf32>
    %add3A_86 = arith.addf %add3A_81, %exp3A_85 : vector<100x128xf32>
    %get3A_87 = arith.constant 400 : index
    %get3A_88 = arith.constant 0 : index
    %get3A_89 = vector.load %arg2[%get3A_87, %get3A_88] : memref<5000x128xf32, #tpu.memory_space<vmem>>, vector<100x128xf32>
    %exp3A_90 = math.exp %get3A_89 : vector<100x128xf32>
    %add3A_91 = arith.addf %add3A_86, %exp3A_90 : vector<100x128xf32>
    %get3A_92 = arith.constant 400 : index
    %get3A_93 = arith.constant 0 : index
    %get3A_94 = vector.load %arg3[%get3A_92, %get3A_93] : memref<5000x128xf32, #tpu.memory_space<vmem>>, vector<100x128xf32>
    %exp3A_95 = math.exp %get3A_94 : vector<100x128xf32>
    %add3A_96 = arith.addf %add3A_91, %exp3A_95 : vector<100x128xf32>
    %get3A_97 = arith.constant 400 : index
    %get3A_98 = arith.constant 0 : index
    %get3A_99 = vector.load %arg4[%get3A_97, %get3A_98] : memref<5000x128xf32, #tpu.memory_space<vmem>>, vector<100x128xf32>
    %exp3A_100 = math.exp %get3A_99 : vector<100x128xf32>
    %add3A_101 = arith.addf %add3A_96, %exp3A_100 : vector<100x128xf32>
    %get3A_102 = arith.constant 500 : index
    %get3A_103 = arith.constant 0 : index
    %get3A_104 = vector.load %arg1[%get3A_102, %get3A_103] : memref<5000x128xf32, #tpu.memory_space<vmem>>, vector<100x128xf32>
    %exp3A_105 = math.exp %get3A_104 : vector<100x128xf32>
    %add3A_106 = arith.addf %add3A_101, %exp3A_105 : vector<100x128xf32>
    %get3A_107 = arith.constant 500 : index
    %get3A_108 = arith.constant 0 : index
    %get3A_109 = vector.load %arg2[%get3A_107, %get3A_108] : memref<5000x128xf32, #tpu.memory_space<vmem>>, vector<100x128xf32>
    %exp3A_110 = math.exp %get3A_109 : vector<100x128xf32>
    %add3A_111 = arith.addf %add3A_106, %exp3A_110 : vector<100x128xf32>
    %get3A_112 = arith.constant 500 : index
    %get3A_113 = arith.constant 0 : index
    %get3A_114 = vector.load %arg3[%get3A_112, %get3A_113] : memref<5000x128xf32, #tpu.memory_space<vmem>>, vector<100x128xf32>
    %exp3A_115 = math.exp %get3A_114 : vector<100x128xf32>
    %add3A_116 = arith.addf %add3A_111, %exp3A_115 : vector<100x128xf32>
    %get3A_117 = arith.constant 500 : index
    %get3A_118 = arith.constant 0 : index
    %get3A_119 = vector.load %arg4[%get3A_117, %get3A_118] : memref<5000x128xf32, #tpu.memory_space<vmem>>, vector<100x128xf32>
    %exp3A_120 = math.exp %get3A_119 : vector<100x128xf32>
    %add3A_121 = arith.addf %add3A_116, %exp3A_120 : vector<100x128xf32>
    %get3A_122 = arith.constant 600 : index
    %get3A_123 = arith.constant 0 : index
    %get3A_124 = vector.load %arg1[%get3A_122, %get3A_123] : memref<5000x128xf32, #tpu.memory_space<vmem>>, vector<100x128xf32>
    %exp3A_125 = math.exp %get3A_124 : vector<100x128xf32>
    %add3A_126 = arith.addf %add3A_121, %exp3A_125 : vector<100x128xf32>
    %get3A_127 = arith.constant 600 : index
    %get3A_128 = arith.constant 0 : index
    %get3A_129 = vector.load %arg2[%get3A_127, %get3A_128] : memref<5000x128xf32, #tpu.memory_space<vmem>>, vector<100x128xf32>
    %exp3A_130 = math.exp %get3A_129 : vector<100x128xf32>
    %add3A_131 = arith.addf %add3A_126, %exp3A_130 : vector<100x128xf32>
    %get3A_132 = arith.constant 600 : index
    %get3A_133 = arith.constant 0 : index
    %get3A_134 = vector.load %arg3[%get3A_132, %get3A_133] : memref<5000x128xf32, #tpu.memory_space<vmem>>, vector<100x128xf32>
    %exp3A_135 = math.exp %get3A_134 : vector<100x128xf32>
    %add3A_136 = arith.addf %add3A_131, %exp3A_135 : vector<100x128xf32>
    %get3A_137 = arith.constant 600 : index
    %get3A_138 = arith.constant 0 : index
    %get3A_139 = vector.load %arg4[%get3A_137, %get3A_138] : memref<5000x128xf32, #tpu.memory_space<vmem>>, vector<100x128xf32>
    %exp3A_140 = math.exp %get3A_139 : vector<100x128xf32>
    %add3A_141 = arith.addf %add3A_136, %exp3A_140 : vector<100x128xf32>
    %get3A_142 = arith.constant 700 : index
    %get3A_143 = arith.constant 0 : index
    %get3A_144 = vector.load %arg1[%get3A_142, %get3A_143] : memref<5000x128xf32, #tpu.memory_space<vmem>>, vector<100x128xf32>
    %exp3A_145 = math.exp %get3A_144 : vector<100x128xf32>
    %add3A_146 = arith.addf %add3A_141, %exp3A_145 : vector<100x128xf32>
    %get3A_147 = arith.constant 700 : index
    %get3A_148 = arith.constant 0 : index
    %get3A_149 = vector.load %arg2[%get3A_147, %get3A_148] : memref<5000x128xf32, #tpu.memory_space<vmem>>, vector<100x128xf32>
    %exp3A_150 = math.exp %get3A_149 : vector<100x128xf32>
    %add3A_151 = arith.addf %add3A_146, %exp3A_150 : vector<100x128xf32>
    %get3A_152 = arith.constant 700 : index
    %get3A_153 = arith.constant 0 : index
    %get3A_154 = vector.load %arg3[%get3A_152, %get3A_153] : memref<5000x128xf32, #tpu.memory_space<vmem>>, vector<100x128xf32>
    %exp3A_155 = math.exp %get3A_154 : vector<100x128xf32>
    %add3A_156 = arith.addf %add3A_151, %exp3A_155 : vector<100x128xf32>
    %get3A_157 = arith.constant 700 : index
    %get3A_158 = arith.constant 0 : index
    %get3A_159 = vector.load %arg4[%get3A_157, %get3A_158] : memref<5000x128xf32, #tpu.memory_space<vmem>>, vector<100x128xf32>
    %exp3A_160 = math.exp %get3A_159 : vector<100x128xf32>
    %add3A_161 = arith.addf %add3A_156, %exp3A_160 : vector<100x128xf32>
    %get3A_162 = arith.constant 800 : index
    %get3A_163 = arith.constant 0 : index
    %get3A_164 = vector.load %arg1[%get3A_162, %get3A_163] : memref<5000x128xf32, #tpu.memory_space<vmem>>, vector<100x128xf32>
    %exp3A_165 = math.exp %get3A_164 : vector<100x128xf32>
    %add3A_166 = arith.addf %add3A_161, %exp3A_165 : vector<100x128xf32>
    %get3A_167 = arith.constant 800 : index
    %get3A_168 = arith.constant 0 : index
    %get3A_169 = vector.load %arg2[%get3A_167, %get3A_168] : memref<5000x128xf32, #tpu.memory_space<vmem>>, vector<100x128xf32>
    %exp3A_170 = math.exp %get3A_169 : vector<100x128xf32>
    %add3A_171 = arith.addf %add3A_166, %exp3A_170 : vector<100x128xf32>
    %get3A_172 = arith.constant 800 : index
    %get3A_173 = arith.constant 0 : index
    %get3A_174 = vector.load %arg3[%get3A_172, %get3A_173] : memref<5000x128xf32, #tpu.memory_space<vmem>>, vector<100x128xf32>
    %exp3A_175 = math.exp %get3A_174 : vector<100x128xf32>
    %add3A_176 = arith.addf %add3A_171, %exp3A_175 : vector<100x128xf32>
    %get3A_177 = arith.constant 800 : index
    %get3A_178 = arith.constant 0 : index
    %get3A_179 = vector.load %arg4[%get3A_177, %get3A_178] : memref<5000x128xf32, #tpu.memory_space<vmem>>, vector<100x128xf32>
    %exp3A_180 = math.exp %get3A_179 : vector<100x128xf32>
    %add3A_181 = arith.addf %add3A_176, %exp3A_180 : vector<100x128xf32>
    %get3A_182 = arith.constant 900 : index
    %get3A_183 = arith.constant 0 : index
    %get3A_184 = vector.load %arg1[%get3A_182, %get3A_183] : memref<5000x128xf32, #tpu.memory_space<vmem>>, vector<100x128xf32>
    %exp3A_185 = math.exp %get3A_184 : vector<100x128xf32>
    %add3A_186 = arith.addf %add3A_181, %exp3A_185 : vector<100x128xf32>
    %get3A_187 = arith.constant 900 : index
    %get3A_188 = arith.constant 0 : index
    %get3A_189 = vector.load %arg2[%get3A_187, %get3A_188] : memref<5000x128xf32, #tpu.memory_space<vmem>>, vector<100x128xf32>
    %exp3A_190 = math.exp %get3A_189 : vector<100x128xf32>
    %add3A_191 = arith.addf %add3A_186, %exp3A_190 : vector<100x128xf32>
    %get3A_192 = arith.constant 900 : index
    %get3A_193 = arith.constant 0 : index
    %get3A_194 = vector.load %arg3[%get3A_192, %get3A_193] : memref<5000x128xf32, #tpu.memory_space<vmem>>, vector<100x128xf32>
    %exp3A_195 = math.exp %get3A_194 : vector<100x128xf32>
    %add3A_196 = arith.addf %add3A_191, %exp3A_195 : vector<100x128xf32>
    %get3A_197 = arith.constant 900 : index
    %get3A_198 = arith.constant 0 : index
    %get3A_199 = vector.load %arg4[%get3A_197, %get3A_198] : memref<5000x128xf32, #tpu.memory_space<vmem>>, vector<100x128xf32>
    %exp3A_200 = math.exp %get3A_199 : vector<100x128xf32>
    %add3A_201 = arith.addf %add3A_196, %exp3A_200 : vector<100x128xf32>
    %get3A_202 = arith.constant 1000 : index
    %get3A_203 = arith.constant 0 : index
    %get3A_204 = vector.load %arg1[%get3A_202, %get3A_203] : memref<5000x128xf32, #tpu.memory_space<vmem>>, vector<100x128xf32>
    %exp3A_205 = math.exp %get3A_204 : vector<100x128xf32>
    %add3A_206 = arith.addf %add3A_201, %exp3A_205 : vector<100x128xf32>
    %get3A_207 = arith.constant 1000 : index
    %get3A_208 = arith.constant 0 : index
    %get3A_209 = vector.load %arg2[%get3A_207, %get3A_208] : memref<5000x128xf32, #tpu.memory_space<vmem>>, vector<100x128xf32>
    %exp3A_210 = math.exp %get3A_209 : vector<100x128xf32>
    %add3A_211 = arith.addf %add3A_206, %exp3A_210 : vector<100x128xf32>
    %get3A_212 = arith.constant 1000 : index
    %get3A_213 = arith.constant 0 : index
    %get3A_214 = vector.load %arg3[%get3A_212, %get3A_213] : memref<5000x128xf32, #tpu.memory_space<vmem>>, vector<100x128xf32>
    %exp3A_215 = math.exp %get3A_214 : vector<100x128xf32>
    %add3A_216 = arith.addf %add3A_211, %exp3A_215 : vector<100x128xf32>
    %get3A_217 = arith.constant 1000 : index
    %get3A_218 = arith.constant 0 : index
    %get3A_219 = vector.load %arg4[%get3A_217, %get3A_218] : memref<5000x128xf32, #tpu.memory_space<vmem>>, vector<100x128xf32>
    %exp3A_220 = math.exp %get3A_219 : vector<100x128xf32>
    %add3A_221 = arith.addf %add3A_216, %exp3A_220 : vector<100x128xf32>
    %get3A_222 = arith.constant 1100 : index
    %get3A_223 = arith.constant 0 : index
    %get3A_224 = vector.load %arg1[%get3A_222, %get3A_223] : memref<5000x128xf32, #tpu.memory_space<vmem>>, vector<100x128xf32>
    %exp3A_225 = math.exp %get3A_224 : vector<100x128xf32>
    %add3A_226 = arith.addf %add3A_221, %exp3A_225 : vector<100x128xf32>
    %get3A_227 = arith.constant 1100 : index
    %get3A_228 = arith.constant 0 : index
    %get3A_229 = vector.load %arg2[%get3A_227, %get3A_228] : memref<5000x128xf32, #tpu.memory_space<vmem>>, vector<100x128xf32>
    %exp3A_230 = math.exp %get3A_229 : vector<100x128xf32>
    %add3A_231 = arith.addf %add3A_226, %exp3A_230 : vector<100x128xf32>
    %get3A_232 = arith.constant 1100 : index
    %get3A_233 = arith.constant 0 : index
    %get3A_234 = vector.load %arg3[%get3A_232, %get3A_233] : memref<5000x128xf32, #tpu.memory_space<vmem>>, vector<100x128xf32>
    %exp3A_235 = math.exp %get3A_234 : vector<100x128xf32>
    %add3A_236 = arith.addf %add3A_231, %exp3A_235 : vector<100x128xf32>
    %get3A_237 = arith.constant 1100 : index
    %get3A_238 = arith.constant 0 : index
    %get3A_239 = vector.load %arg4[%get3A_237, %get3A_238] : memref<5000x128xf32, #tpu.memory_space<vmem>>, vector<100x128xf32>
    %exp3A_240 = math.exp %get3A_239 : vector<100x128xf32>
    %add3A_241 = arith.addf %add3A_236, %exp3A_240 : vector<100x128xf32>
    %get3A_242 = arith.constant 1200 : index
    %get3A_243 = arith.constant 0 : index
    %get3A_244 = vector.load %arg1[%get3A_242, %get3A_243] : memref<5000x128xf32, #tpu.memory_space<vmem>>, vector<100x128xf32>
    %exp3A_245 = math.exp %get3A_244 : vector<100x128xf32>
    %add3A_246 = arith.addf %add3A_241, %exp3A_245 : vector<100x128xf32>
    %get3A_247 = arith.constant 1200 : index
    %get3A_248 = arith.constant 0 : index
    %get3A_249 = vector.load %arg2[%get3A_247, %get3A_248] : memref<5000x128xf32, #tpu.memory_space<vmem>>, vector<100x128xf32>
    %exp3A_250 = math.exp %get3A_249 : vector<100x128xf32>
    %add3A_251 = arith.addf %add3A_246, %exp3A_250 : vector<100x128xf32>
    %get3A_252 = arith.constant 1200 : index
    %get3A_253 = arith.constant 0 : index
    %get3A_254 = vector.load %arg3[%get3A_252, %get3A_253] : memref<5000x128xf32, #tpu.memory_space<vmem>>, vector<100x128xf32>
    %exp3A_255 = math.exp %get3A_254 : vector<100x128xf32>
    %add3A_256 = arith.addf %add3A_251, %exp3A_255 : vector<100x128xf32>
    %get3A_257 = arith.constant 1200 : index
    %get3A_258 = arith.constant 0 : index
    %get3A_259 = vector.load %arg4[%get3A_257, %get3A_258] : memref<5000x128xf32, #tpu.memory_space<vmem>>, vector<100x128xf32>
    %exp3A_260 = math.exp %get3A_259 : vector<100x128xf32>
    %add3A_261 = arith.addf %add3A_256, %exp3A_260 : vector<100x128xf32>
    %get3A_262 = arith.constant 1300 : index
    %get3A_263 = arith.constant 0 : index
    %get3A_264 = vector.load %arg1[%get3A_262, %get3A_263] : memref<5000x128xf32, #tpu.memory_space<vmem>>, vector<100x128xf32>
    %exp3A_265 = math.exp %get3A_264 : vector<100x128xf32>
    %add3A_266 = arith.addf %add3A_261, %exp3A_265 : vector<100x128xf32>
    %get3A_267 = arith.constant 1300 : index
    %get3A_268 = arith.constant 0 : index
    %get3A_269 = vector.load %arg2[%get3A_267, %get3A_268] : memref<5000x128xf32, #tpu.memory_space<vmem>>, vector<100x128xf32>
    %exp3A_270 = math.exp %get3A_269 : vector<100x128xf32>
    %add3A_271 = arith.addf %add3A_266, %exp3A_270 : vector<100x128xf32>
    %get3A_272 = arith.constant 1300 : index
    %get3A_273 = arith.constant 0 : index
    %get3A_274 = vector.load %arg3[%get3A_272, %get3A_273] : memref<5000x128xf32, #tpu.memory_space<vmem>>, vector<100x128xf32>
    %exp3A_275 = math.exp %get3A_274 : vector<100x128xf32>
    %add3A_276 = arith.addf %add3A_271, %exp3A_275 : vector<100x128xf32>
    %get3A_277 = arith.constant 1300 : index
    %get3A_278 = arith.constant 0 : index
    %get3A_279 = vector.load %arg4[%get3A_277, %get3A_278] : memref<5000x128xf32, #tpu.memory_space<vmem>>, vector<100x128xf32>
    %exp3A_280 = math.exp %get3A_279 : vector<100x128xf32>
    %add3A_281 = arith.addf %add3A_276, %exp3A_280 : vector<100x128xf32>
    %get3A_282 = arith.constant 1400 : index
    %get3A_283 = arith.constant 0 : index
    %get3A_284 = vector.load %arg1[%get3A_282, %get3A_283] : memref<5000x128xf32, #tpu.memory_space<vmem>>, vector<100x128xf32>
    %exp3A_285 = math.exp %get3A_284 : vector<100x128xf32>
    %add3A_286 = arith.addf %add3A_281, %exp3A_285 : vector<100x128xf32>
    %get3A_287 = arith.constant 1400 : index
    %get3A_288 = arith.constant 0 : index
    %get3A_289 = vector.load %arg2[%get3A_287, %get3A_288] : memref<5000x128xf32, #tpu.memory_space<vmem>>, vector<100x128xf32>
    %exp3A_290 = math.exp %get3A_289 : vector<100x128xf32>
    %add3A_291 = arith.addf %add3A_286, %exp3A_290 : vector<100x128xf32>
    %get3A_292 = arith.constant 1400 : index
    %get3A_293 = arith.constant 0 : index
    %get3A_294 = vector.load %arg3[%get3A_292, %get3A_293] : memref<5000x128xf32, #tpu.memory_space<vmem>>, vector<100x128xf32>
    %exp3A_295 = math.exp %get3A_294 : vector<100x128xf32>
    %add3A_296 = arith.addf %add3A_291, %exp3A_295 : vector<100x128xf32>
    %get3A_297 = arith.constant 1400 : index
    %get3A_298 = arith.constant 0 : index
    %get3A_299 = vector.load %arg4[%get3A_297, %get3A_298] : memref<5000x128xf32, #tpu.memory_space<vmem>>, vector<100x128xf32>
    %exp3A_300 = math.exp %get3A_299 : vector<100x128xf32>
    %add3A_301 = arith.addf %add3A_296, %exp3A_300 : vector<100x128xf32>
    %get3A_302 = arith.constant 1500 : index
    %get3A_303 = arith.constant 0 : index
    %get3A_304 = vector.load %arg1[%get3A_302, %get3A_303] : memref<5000x128xf32, #tpu.memory_space<vmem>>, vector<100x128xf32>
    %exp3A_305 = math.exp %get3A_304 : vector<100x128xf32>
    %add3A_306 = arith.addf %add3A_301, %exp3A_305 : vector<100x128xf32>
    %get3A_307 = arith.constant 1500 : index
    %get3A_308 = arith.constant 0 : index
    %get3A_309 = vector.load %arg2[%get3A_307, %get3A_308] : memref<5000x128xf32, #tpu.memory_space<vmem>>, vector<100x128xf32>
    %exp3A_310 = math.exp %get3A_309 : vector<100x128xf32>
    %add3A_311 = arith.addf %add3A_306, %exp3A_310 : vector<100x128xf32>
    %get3A_312 = arith.constant 1500 : index
    %get3A_313 = arith.constant 0 : index
    %get3A_314 = vector.load %arg3[%get3A_312, %get3A_313] : memref<5000x128xf32, #tpu.memory_space<vmem>>, vector<100x128xf32>
    %exp3A_315 = math.exp %get3A_314 : vector<100x128xf32>
    %add3A_316 = arith.addf %add3A_311, %exp3A_315 : vector<100x128xf32>
    %get3A_317 = arith.constant 1500 : index
    %get3A_318 = arith.constant 0 : index
    %get3A_319 = vector.load %arg4[%get3A_317, %get3A_318] : memref<5000x128xf32, #tpu.memory_space<vmem>>, vector<100x128xf32>
    %exp3A_320 = math.exp %get3A_319 : vector<100x128xf32>
    %add3A_321 = arith.addf %add3A_316, %exp3A_320 : vector<100x128xf32>
    %get3A_322 = arith.constant 1600 : index
    %get3A_323 = arith.constant 0 : index
    %get3A_324 = vector.load %arg1[%get3A_322, %get3A_323] : memref<5000x128xf32, #tpu.memory_space<vmem>>, vector<100x128xf32>
    %exp3A_325 = math.exp %get3A_324 : vector<100x128xf32>
    %add3A_326 = arith.addf %add3A_321, %exp3A_325 : vector<100x128xf32>
    %get3A_327 = arith.constant 1600 : index
    %get3A_328 = arith.constant 0 : index
    %get3A_329 = vector.load %arg2[%get3A_327, %get3A_328] : memref<5000x128xf32, #tpu.memory_space<vmem>>, vector<100x128xf32>
    %exp3A_330 = math.exp %get3A_329 : vector<100x128xf32>
    %add3A_331 = arith.addf %add3A_326, %exp3A_330 : vector<100x128xf32>
    %get3A_332 = arith.constant 1600 : index
    %get3A_333 = arith.constant 0 : index
    %get3A_334 = vector.load %arg3[%get3A_332, %get3A_333] : memref<5000x128xf32, #tpu.memory_space<vmem>>, vector<100x128xf32>
    %exp3A_335 = math.exp %get3A_334 : vector<100x128xf32>
    %add3A_336 = arith.addf %add3A_331, %exp3A_335 : vector<100x128xf32>
    %get3A_337 = arith.constant 1600 : index
    %get3A_338 = arith.constant 0 : index
    %get3A_339 = vector.load %arg4[%get3A_337, %get3A_338] : memref<5000x128xf32, #tpu.memory_space<vmem>>, vector<100x128xf32>
    %exp3A_340 = math.exp %get3A_339 : vector<100x128xf32>
    %add3A_341 = arith.addf %add3A_336, %exp3A_340 : vector<100x128xf32>
    %get3A_342 = arith.constant 1700 : index
    %get3A_343 = arith.constant 0 : index
    %get3A_344 = vector.load %arg1[%get3A_342, %get3A_343] : memref<5000x128xf32, #tpu.memory_space<vmem>>, vector<100x128xf32>
    %exp3A_345 = math.exp %get3A_344 : vector<100x128xf32>
    %add3A_346 = arith.addf %add3A_341, %exp3A_345 : vector<100x128xf32>
    %get3A_347 = arith.constant 1700 : index
    %get3A_348 = arith.constant 0 : index
    %get3A_349 = vector.load %arg2[%get3A_347, %get3A_348] : memref<5000x128xf32, #tpu.memory_space<vmem>>, vector<100x128xf32>
    %exp3A_350 = math.exp %get3A_349 : vector<100x128xf32>
    %add3A_351 = arith.addf %add3A_346, %exp3A_350 : vector<100x128xf32>
    %get3A_352 = arith.constant 1700 : index
    %get3A_353 = arith.constant 0 : index
    %get3A_354 = vector.load %arg3[%get3A_352, %get3A_353] : memref<5000x128xf32, #tpu.memory_space<vmem>>, vector<100x128xf32>
    %exp3A_355 = math.exp %get3A_354 : vector<100x128xf32>
    %add3A_356 = arith.addf %add3A_351, %exp3A_355 : vector<100x128xf32>
    %get3A_357 = arith.constant 1700 : index
    %get3A_358 = arith.constant 0 : index
    %get3A_359 = vector.load %arg4[%get3A_357, %get3A_358] : memref<5000x128xf32, #tpu.memory_space<vmem>>, vector<100x128xf32>
    %exp3A_360 = math.exp %get3A_359 : vector<100x128xf32>
    %add3A_361 = arith.addf %add3A_356, %exp3A_360 : vector<100x128xf32>
    %get3A_362 = arith.constant 1800 : index
    %get3A_363 = arith.constant 0 : index
    %get3A_364 = vector.load %arg1[%get3A_362, %get3A_363] : memref<5000x128xf32, #tpu.memory_space<vmem>>, vector<100x128xf32>
    %exp3A_365 = math.exp %get3A_364 : vector<100x128xf32>
    %add3A_366 = arith.addf %add3A_361, %exp3A_365 : vector<100x128xf32>
    %get3A_367 = arith.constant 1800 : index
    %get3A_368 = arith.constant 0 : index
    %get3A_369 = vector.load %arg2[%get3A_367, %get3A_368] : memref<5000x128xf32, #tpu.memory_space<vmem>>, vector<100x128xf32>
    %exp3A_370 = math.exp %get3A_369 : vector<100x128xf32>
    %add3A_371 = arith.addf %add3A_366, %exp3A_370 : vector<100x128xf32>
    %get3A_372 = arith.constant 1800 : index
    %get3A_373 = arith.constant 0 : index
    %get3A_374 = vector.load %arg3[%get3A_372, %get3A_373] : memref<5000x128xf32, #tpu.memory_space<vmem>>, vector<100x128xf32>
    %exp3A_375 = math.exp %get3A_374 : vector<100x128xf32>
    %add3A_376 = arith.addf %add3A_371, %exp3A_375 : vector<100x128xf32>
    %get3A_377 = arith.constant 1800 : index
    %get3A_378 = arith.constant 0 : index
    %get3A_379 = vector.load %arg4[%get3A_377, %get3A_378] : memref<5000x128xf32, #tpu.memory_space<vmem>>, vector<100x128xf32>
    %exp3A_380 = math.exp %get3A_379 : vector<100x128xf32>
    %add3A_381 = arith.addf %add3A_376, %exp3A_380 : vector<100x128xf32>
    %get3A_382 = arith.constant 1900 : index
    %get3A_383 = arith.constant 0 : index
    %get3A_384 = vector.load %arg1[%get3A_382, %get3A_383] : memref<5000x128xf32, #tpu.memory_space<vmem>>, vector<100x128xf32>
    %exp3A_385 = math.exp %get3A_384 : vector<100x128xf32>
    %add3A_386 = arith.addf %add3A_381, %exp3A_385 : vector<100x128xf32>
    %get3A_387 = arith.constant 1900 : index
    %get3A_388 = arith.constant 0 : index
    %get3A_389 = vector.load %arg2[%get3A_387, %get3A_388] : memref<5000x128xf32, #tpu.memory_space<vmem>>, vector<100x128xf32>
    %exp3A_390 = math.exp %get3A_389 : vector<100x128xf32>
    %add3A_391 = arith.addf %add3A_386, %exp3A_390 : vector<100x128xf32>
    %get3A_392 = arith.constant 1900 : index
    %get3A_393 = arith.constant 0 : index
    %get3A_394 = vector.load %arg3[%get3A_392, %get3A_393] : memref<5000x128xf32, #tpu.memory_space<vmem>>, vector<100x128xf32>
    %exp3A_395 = math.exp %get3A_394 : vector<100x128xf32>
    %add3A_396 = arith.addf %add3A_391, %exp3A_395 : vector<100x128xf32>
    %get3A_397 = arith.constant 1900 : index
    %get3A_398 = arith.constant 0 : index
    %get3A_399 = vector.load %arg4[%get3A_397, %get3A_398] : memref<5000x128xf32, #tpu.memory_space<vmem>>, vector<100x128xf32>
    %exp3A_400 = math.exp %get3A_399 : vector<100x128xf32>
    %add3A_401 = arith.addf %add3A_396, %exp3A_400 : vector<100x128xf32>
    %get3A_402 = arith.constant 2000 : index
    %get3A_403 = arith.constant 0 : index
    %get3A_404 = vector.load %arg1[%get3A_402, %get3A_403] : memref<5000x128xf32, #tpu.memory_space<vmem>>, vector<100x128xf32>
    %exp3A_405 = math.exp %get3A_404 : vector<100x128xf32>
    %add3A_406 = arith.addf %add3A_401, %exp3A_405 : vector<100x128xf32>
    %get3A_407 = arith.constant 2000 : index
    %get3A_408 = arith.constant 0 : index
    %get3A_409 = vector.load %arg2[%get3A_407, %get3A_408] : memref<5000x128xf32, #tpu.memory_space<vmem>>, vector<100x128xf32>
    %exp3A_410 = math.exp %get3A_409 : vector<100x128xf32>
    %add3A_411 = arith.addf %add3A_406, %exp3A_410 : vector<100x128xf32>
    %get3A_412 = arith.constant 2000 : index
    %get3A_413 = arith.constant 0 : index
    %get3A_414 = vector.load %arg3[%get3A_412, %get3A_413] : memref<5000x128xf32, #tpu.memory_space<vmem>>, vector<100x128xf32>
    %exp3A_415 = math.exp %get3A_414 : vector<100x128xf32>
    %add3A_416 = arith.addf %add3A_411, %exp3A_415 : vector<100x128xf32>
    %get3A_417 = arith.constant 2000 : index
    %get3A_418 = arith.constant 0 : index
    %get3A_419 = vector.load %arg4[%get3A_417, %get3A_418] : memref<5000x128xf32, #tpu.memory_space<vmem>>, vector<100x128xf32>
    %exp3A_420 = math.exp %get3A_419 : vector<100x128xf32>
    %add3A_421 = arith.addf %add3A_416, %exp3A_420 : vector<100x128xf32>
    %get3A_422 = arith.constant 2100 : index
    %get3A_423 = arith.constant 0 : index
    %get3A_424 = vector.load %arg1[%get3A_422, %get3A_423] : memref<5000x128xf32, #tpu.memory_space<vmem>>, vector<100x128xf32>
    %exp3A_425 = math.exp %get3A_424 : vector<100x128xf32>
    %add3A_426 = arith.addf %add3A_421, %exp3A_425 : vector<100x128xf32>
    %get3A_427 = arith.constant 2100 : index
    %get3A_428 = arith.constant 0 : index
    %get3A_429 = vector.load %arg2[%get3A_427, %get3A_428] : memref<5000x128xf32, #tpu.memory_space<vmem>>, vector<100x128xf32>
    %exp3A_430 = math.exp %get3A_429 : vector<100x128xf32>
    %add3A_431 = arith.addf %add3A_426, %exp3A_430 : vector<100x128xf32>
    %get3A_432 = arith.constant 2100 : index
    %get3A_433 = arith.constant 0 : index
    %get3A_434 = vector.load %arg3[%get3A_432, %get3A_433] : memref<5000x128xf32, #tpu.memory_space<vmem>>, vector<100x128xf32>
    %exp3A_435 = math.exp %get3A_434 : vector<100x128xf32>
    %add3A_436 = arith.addf %add3A_431, %exp3A_435 : vector<100x128xf32>
    %get3A_437 = arith.constant 2100 : index
    %get3A_438 = arith.constant 0 : index
    %get3A_439 = vector.load %arg4[%get3A_437, %get3A_438] : memref<5000x128xf32, #tpu.memory_space<vmem>>, vector<100x128xf32>
    %exp3A_440 = math.exp %get3A_439 : vector<100x128xf32>
    %add3A_441 = arith.addf %add3A_436, %exp3A_440 : vector<100x128xf32>
    %get3A_442 = arith.constant 2200 : index
    %get3A_443 = arith.constant 0 : index
    %get3A_444 = vector.load %arg1[%get3A_442, %get3A_443] : memref<5000x128xf32, #tpu.memory_space<vmem>>, vector<100x128xf32>
    %exp3A_445 = math.exp %get3A_444 : vector<100x128xf32>
    %add3A_446 = arith.addf %add3A_441, %exp3A_445 : vector<100x128xf32>
    %get3A_447 = arith.constant 2200 : index
    %get3A_448 = arith.constant 0 : index
    %get3A_449 = vector.load %arg2[%get3A_447, %get3A_448] : memref<5000x128xf32, #tpu.memory_space<vmem>>, vector<100x128xf32>
    %exp3A_450 = math.exp %get3A_449 : vector<100x128xf32>
    %add3A_451 = arith.addf %add3A_446, %exp3A_450 : vector<100x128xf32>
    %get3A_452 = arith.constant 2200 : index
    %get3A_453 = arith.constant 0 : index
    %get3A_454 = vector.load %arg3[%get3A_452, %get3A_453] : memref<5000x128xf32, #tpu.memory_space<vmem>>, vector<100x128xf32>
    %exp3A_455 = math.exp %get3A_454 : vector<100x128xf32>
    %add3A_456 = arith.addf %add3A_451, %exp3A_455 : vector<100x128xf32>
    %get3A_457 = arith.constant 2200 : index
    %get3A_458 = arith.constant 0 : index
    %get3A_459 = vector.load %arg4[%get3A_457, %get3A_458] : memref<5000x128xf32, #tpu.memory_space<vmem>>, vector<100x128xf32>
    %exp3A_460 = math.exp %get3A_459 : vector<100x128xf32>
    %add3A_461 = arith.addf %add3A_456, %exp3A_460 : vector<100x128xf32>
    %get3A_462 = arith.constant 2300 : index
    %get3A_463 = arith.constant 0 : index
    %get3A_464 = vector.load %arg1[%get3A_462, %get3A_463] : memref<5000x128xf32, #tpu.memory_space<vmem>>, vector<100x128xf32>
    %exp3A_465 = math.exp %get3A_464 : vector<100x128xf32>
    %add3A_466 = arith.addf %add3A_461, %exp3A_465 : vector<100x128xf32>
    %get3A_467 = arith.constant 2300 : index
    %get3A_468 = arith.constant 0 : index
    %get3A_469 = vector.load %arg2[%get3A_467, %get3A_468] : memref<5000x128xf32, #tpu.memory_space<vmem>>, vector<100x128xf32>
    %exp3A_470 = math.exp %get3A_469 : vector<100x128xf32>
    %add3A_471 = arith.addf %add3A_466, %exp3A_470 : vector<100x128xf32>
    %get3A_472 = arith.constant 2300 : index
    %get3A_473 = arith.constant 0 : index
    %get3A_474 = vector.load %arg3[%get3A_472, %get3A_473] : memref<5000x128xf32, #tpu.memory_space<vmem>>, vector<100x128xf32>
    %exp3A_475 = math.exp %get3A_474 : vector<100x128xf32>
    %add3A_476 = arith.addf %add3A_471, %exp3A_475 : vector<100x128xf32>
    %get3A_477 = arith.constant 2300 : index
    %get3A_478 = arith.constant 0 : index
    %get3A_479 = vector.load %arg4[%get3A_477, %get3A_478] : memref<5000x128xf32, #tpu.memory_space<vmem>>, vector<100x128xf32>
    %exp3A_480 = math.exp %get3A_479 : vector<100x128xf32>
    %add3A_481 = arith.addf %add3A_476, %exp3A_480 : vector<100x128xf32>
    %get3A_482 = arith.constant 2400 : index
    %get3A_483 = arith.constant 0 : index
    %get3A_484 = vector.load %arg1[%get3A_482, %get3A_483] : memref<5000x128xf32, #tpu.memory_space<vmem>>, vector<100x128xf32>
    %exp3A_485 = math.exp %get3A_484 : vector<100x128xf32>
    %add3A_486 = arith.addf %add3A_481, %exp3A_485 : vector<100x128xf32>
    %get3A_487 = arith.constant 2400 : index
    %get3A_488 = arith.constant 0 : index
    %get3A_489 = vector.load %arg2[%get3A_487, %get3A_488] : memref<5000x128xf32, #tpu.memory_space<vmem>>, vector<100x128xf32>
    %exp3A_490 = math.exp %get3A_489 : vector<100x128xf32>
    %add3A_491 = arith.addf %add3A_486, %exp3A_490 : vector<100x128xf32>
    %get3A_492 = arith.constant 2400 : index
    %get3A_493 = arith.constant 0 : index
    %get3A_494 = vector.load %arg3[%get3A_492, %get3A_493] : memref<5000x128xf32, #tpu.memory_space<vmem>>, vector<100x128xf32>
    %exp3A_495 = math.exp %get3A_494 : vector<100x128xf32>
    %add3A_496 = arith.addf %add3A_491, %exp3A_495 : vector<100x128xf32>
    %get3A_497 = arith.constant 2400 : index
    %get3A_498 = arith.constant 0 : index
    %get3A_499 = vector.load %arg4[%get3A_497, %get3A_498] : memref<5000x128xf32, #tpu.memory_space<vmem>>, vector<100x128xf32>
    %exp3A_500 = math.exp %get3A_499 : vector<100x128xf32>
    %add3A_501 = arith.addf %add3A_496, %exp3A_500 : vector<100x128xf32>
    %get3A_502 = arith.constant 2500 : index
    %get3A_503 = arith.constant 0 : index
    %get3A_504 = vector.load %arg1[%get3A_502, %get3A_503] : memref<5000x128xf32, #tpu.memory_space<vmem>>, vector<100x128xf32>
    %exp3A_505 = math.exp %get3A_504 : vector<100x128xf32>
    %add3A_506 = arith.addf %add3A_501, %exp3A_505 : vector<100x128xf32>
    %get3A_507 = arith.constant 2500 : index
    %get3A_508 = arith.constant 0 : index
    %get3A_509 = vector.load %arg2[%get3A_507, %get3A_508] : memref<5000x128xf32, #tpu.memory_space<vmem>>, vector<100x128xf32>
    %exp3A_510 = math.exp %get3A_509 : vector<100x128xf32>
    %add3A_511 = arith.addf %add3A_506, %exp3A_510 : vector<100x128xf32>
    %get3A_512 = arith.constant 2500 : index
    %get3A_513 = arith.constant 0 : index
    %get3A_514 = vector.load %arg3[%get3A_512, %get3A_513] : memref<5000x128xf32, #tpu.memory_space<vmem>>, vector<100x128xf32>
    %exp3A_515 = math.exp %get3A_514 : vector<100x128xf32>
    %add3A_516 = arith.addf %add3A_511, %exp3A_515 : vector<100x128xf32>
    %get3A_517 = arith.constant 2500 : index
    %get3A_518 = arith.constant 0 : index
    %get3A_519 = vector.load %arg4[%get3A_517, %get3A_518] : memref<5000x128xf32, #tpu.memory_space<vmem>>, vector<100x128xf32>
    %exp3A_520 = math.exp %get3A_519 : vector<100x128xf32>
    %add3A_521 = arith.addf %add3A_516, %exp3A_520 : vector<100x128xf32>
    %get3A_522 = arith.constant 2600 : index
    %get3A_523 = arith.constant 0 : index
    %get3A_524 = vector.load %arg1[%get3A_522, %get3A_523] : memref<5000x128xf32, #tpu.memory_space<vmem>>, vector<100x128xf32>
    %exp3A_525 = math.exp %get3A_524 : vector<100x128xf32>
    %add3A_526 = arith.addf %add3A_521, %exp3A_525 : vector<100x128xf32>
    %get3A_527 = arith.constant 2600 : index
    %get3A_528 = arith.constant 0 : index
    %get3A_529 = vector.load %arg2[%get3A_527, %get3A_528] : memref<5000x128xf32, #tpu.memory_space<vmem>>, vector<100x128xf32>
    %exp3A_530 = math.exp %get3A_529 : vector<100x128xf32>
    %add3A_531 = arith.addf %add3A_526, %exp3A_530 : vector<100x128xf32>
    %get3A_532 = arith.constant 2600 : index
    %get3A_533 = arith.constant 0 : index
    %get3A_534 = vector.load %arg3[%get3A_532, %get3A_533] : memref<5000x128xf32, #tpu.memory_space<vmem>>, vector<100x128xf32>
    %exp3A_535 = math.exp %get3A_534 : vector<100x128xf32>
    %add3A_536 = arith.addf %add3A_531, %exp3A_535 : vector<100x128xf32>
    %get3A_537 = arith.constant 2600 : index
    %get3A_538 = arith.constant 0 : index
    %get3A_539 = vector.load %arg4[%get3A_537, %get3A_538] : memref<5000x128xf32, #tpu.memory_space<vmem>>, vector<100x128xf32>
    %exp3A_540 = math.exp %get3A_539 : vector<100x128xf32>
    %add3A_541 = arith.addf %add3A_536, %exp3A_540 : vector<100x128xf32>
    %get3A_542 = arith.constant 2700 : index
    %get3A_543 = arith.constant 0 : index
    %get3A_544 = vector.load %arg1[%get3A_542, %get3A_543] : memref<5000x128xf32, #tpu.memory_space<vmem>>, vector<100x128xf32>
    %exp3A_545 = math.exp %get3A_544 : vector<100x128xf32>
    %add3A_546 = arith.addf %add3A_541, %exp3A_545 : vector<100x128xf32>
    %get3A_547 = arith.constant 2700 : index
    %get3A_548 = arith.constant 0 : index
    %get3A_549 = vector.load %arg2[%get3A_547, %get3A_548] : memref<5000x128xf32, #tpu.memory_space<vmem>>, vector<100x128xf32>
    %exp3A_550 = math.exp %get3A_549 : vector<100x128xf32>
    %add3A_551 = arith.addf %add3A_546, %exp3A_550 : vector<100x128xf32>
    %get3A_552 = arith.constant 2700 : index
    %get3A_553 = arith.constant 0 : index
    %get3A_554 = vector.load %arg3[%get3A_552, %get3A_553] : memref<5000x128xf32, #tpu.memory_space<vmem>>, vector<100x128xf32>
    %exp3A_555 = math.exp %get3A_554 : vector<100x128xf32>
    %add3A_556 = arith.addf %add3A_551, %exp3A_555 : vector<100x128xf32>
    %get3A_557 = arith.constant 2700 : index
    %get3A_558 = arith.constant 0 : index
    %get3A_559 = vector.load %arg4[%get3A_557, %get3A_558] : memref<5000x128xf32, #tpu.memory_space<vmem>>, vector<100x128xf32>
    %exp3A_560 = math.exp %get3A_559 : vector<100x128xf32>
    %add3A_561 = arith.addf %add3A_556, %exp3A_560 : vector<100x128xf32>
    %get3A_562 = arith.constant 2800 : index
    %get3A_563 = arith.constant 0 : index
    %get3A_564 = vector.load %arg1[%get3A_562, %get3A_563] : memref<5000x128xf32, #tpu.memory_space<vmem>>, vector<100x128xf32>
    %exp3A_565 = math.exp %get3A_564 : vector<100x128xf32>
    %add3A_566 = arith.addf %add3A_561, %exp3A_565 : vector<100x128xf32>
    %get3A_567 = arith.constant 2800 : index
    %get3A_568 = arith.constant 0 : index
    %get3A_569 = vector.load %arg2[%get3A_567, %get3A_568] : memref<5000x128xf32, #tpu.memory_space<vmem>>, vector<100x128xf32>
    %exp3A_570 = math.exp %get3A_569 : vector<100x128xf32>
    %add3A_571 = arith.addf %add3A_566, %exp3A_570 : vector<100x128xf32>
    %get3A_572 = arith.constant 2800 : index
    %get3A_573 = arith.constant 0 : index
    %get3A_574 = vector.load %arg3[%get3A_572, %get3A_573] : memref<5000x128xf32, #tpu.memory_space<vmem>>, vector<100x128xf32>
    %exp3A_575 = math.exp %get3A_574 : vector<100x128xf32>
    %add3A_576 = arith.addf %add3A_571, %exp3A_575 : vector<100x128xf32>
    %get3A_577 = arith.constant 2800 : index
    %get3A_578 = arith.constant 0 : index
    %get3A_579 = vector.load %arg4[%get3A_577, %get3A_578] : memref<5000x128xf32, #tpu.memory_space<vmem>>, vector<100x128xf32>
    %exp3A_580 = math.exp %get3A_579 : vector<100x128xf32>
    %add3A_581 = arith.addf %add3A_576, %exp3A_580 : vector<100x128xf32>
    %get3A_582 = arith.constant 2900 : index
    %get3A_583 = arith.constant 0 : index
    %get3A_584 = vector.load %arg1[%get3A_582, %get3A_583] : memref<5000x128xf32, #tpu.memory_space<vmem>>, vector<100x128xf32>
    %exp3A_585 = math.exp %get3A_584 : vector<100x128xf32>
    %add3A_586 = arith.addf %add3A_581, %exp3A_585 : vector<100x128xf32>
    %get3A_587 = arith.constant 2900 : index
    %get3A_588 = arith.constant 0 : index
    %get3A_589 = vector.load %arg2[%get3A_587, %get3A_588] : memref<5000x128xf32, #tpu.memory_space<vmem>>, vector<100x128xf32>
    %exp3A_590 = math.exp %get3A_589 : vector<100x128xf32>
    %add3A_591 = arith.addf %add3A_586, %exp3A_590 : vector<100x128xf32>
    %get3A_592 = arith.constant 2900 : index
    %get3A_593 = arith.constant 0 : index
    %get3A_594 = vector.load %arg3[%get3A_592, %get3A_593] : memref<5000x128xf32, #tpu.memory_space<vmem>>, vector<100x128xf32>
    %exp3A_595 = math.exp %get3A_594 : vector<100x128xf32>
    %add3A_596 = arith.addf %add3A_591, %exp3A_595 : vector<100x128xf32>
    %get3A_597 = arith.constant 2900 : index
    %get3A_598 = arith.constant 0 : index
    %get3A_599 = vector.load %arg4[%get3A_597, %get3A_598] : memref<5000x128xf32, #tpu.memory_space<vmem>>, vector<100x128xf32>
    %exp3A_600 = math.exp %get3A_599 : vector<100x128xf32>
    %add3A_601 = arith.addf %add3A_596, %exp3A_600 : vector<100x128xf32>
    %get3A_602 = arith.constant 3000 : index
    %get3A_603 = arith.constant 0 : index
    %get3A_604 = vector.load %arg1[%get3A_602, %get3A_603] : memref<5000x128xf32, #tpu.memory_space<vmem>>, vector<100x128xf32>
    %exp3A_605 = math.exp %get3A_604 : vector<100x128xf32>
    %add3A_606 = arith.addf %add3A_601, %exp3A_605 : vector<100x128xf32>
    %get3A_607 = arith.constant 3000 : index
    %get3A_608 = arith.constant 0 : index
    %get3A_609 = vector.load %arg2[%get3A_607, %get3A_608] : memref<5000x128xf32, #tpu.memory_space<vmem>>, vector<100x128xf32>
    %exp3A_610 = math.exp %get3A_609 : vector<100x128xf32>
    %add3A_611 = arith.addf %add3A_606, %exp3A_610 : vector<100x128xf32>
    %get3A_612 = arith.constant 3000 : index
    %get3A_613 = arith.constant 0 : index
    %get3A_614 = vector.load %arg3[%get3A_612, %get3A_613] : memref<5000x128xf32, #tpu.memory_space<vmem>>, vector<100x128xf32>
    %exp3A_615 = math.exp %get3A_614 : vector<100x128xf32>
    %add3A_616 = arith.addf %add3A_611, %exp3A_615 : vector<100x128xf32>
    %get3A_617 = arith.constant 3000 : index
    %get3A_618 = arith.constant 0 : index
    %get3A_619 = vector.load %arg4[%get3A_617, %get3A_618] : memref<5000x128xf32, #tpu.memory_space<vmem>>, vector<100x128xf32>
    %exp3A_620 = math.exp %get3A_619 : vector<100x128xf32>
    %add3A_621 = arith.addf %add3A_616, %exp3A_620 : vector<100x128xf32>
    %get3A_622 = arith.constant 3100 : index
    %get3A_623 = arith.constant 0 : index
    %get3A_624 = vector.load %arg1[%get3A_622, %get3A_623] : memref<5000x128xf32, #tpu.memory_space<vmem>>, vector<100x128xf32>
    %exp3A_625 = math.exp %get3A_624 : vector<100x128xf32>
    %add3A_626 = arith.addf %add3A_621, %exp3A_625 : vector<100x128xf32>
    %get3A_627 = arith.constant 3100 : index
    %get3A_628 = arith.constant 0 : index
    %get3A_629 = vector.load %arg2[%get3A_627, %get3A_628] : memref<5000x128xf32, #tpu.memory_space<vmem>>, vector<100x128xf32>
    %exp3A_630 = math.exp %get3A_629 : vector<100x128xf32>
    %add3A_631 = arith.addf %add3A_626, %exp3A_630 : vector<100x128xf32>
    %get3A_632 = arith.constant 3100 : index
    %get3A_633 = arith.constant 0 : index
    %get3A_634 = vector.load %arg3[%get3A_632, %get3A_633] : memref<5000x128xf32, #tpu.memory_space<vmem>>, vector<100x128xf32>
    %exp3A_635 = math.exp %get3A_634 : vector<100x128xf32>
    %add3A_636 = arith.addf %add3A_631, %exp3A_635 : vector<100x128xf32>
    %get3A_637 = arith.constant 3100 : index
    %get3A_638 = arith.constant 0 : index
    %get3A_639 = vector.load %arg4[%get3A_637, %get3A_638] : memref<5000x128xf32, #tpu.memory_space<vmem>>, vector<100x128xf32>
    %exp3A_640 = math.exp %get3A_639 : vector<100x128xf32>
    %add3A_641 = arith.addf %add3A_636, %exp3A_640 : vector<100x128xf32>
    %get3A_642 = arith.constant 3200 : index
    %get3A_643 = arith.constant 0 : index
    %get3A_644 = vector.load %arg1[%get3A_642, %get3A_643] : memref<5000x128xf32, #tpu.memory_space<vmem>>, vector<100x128xf32>
    %exp3A_645 = math.exp %get3A_644 : vector<100x128xf32>
    %add3A_646 = arith.addf %add3A_641, %exp3A_645 : vector<100x128xf32>
    %get3A_647 = arith.constant 3200 : index
    %get3A_648 = arith.constant 0 : index
    %get3A_649 = vector.load %arg2[%get3A_647, %get3A_648] : memref<5000x128xf32, #tpu.memory_space<vmem>>, vector<100x128xf32>
    %exp3A_650 = math.exp %get3A_649 : vector<100x128xf32>
    %add3A_651 = arith.addf %add3A_646, %exp3A_650 : vector<100x128xf32>
    %get3A_652 = arith.constant 3200 : index
    %get3A_653 = arith.constant 0 : index
    %get3A_654 = vector.load %arg3[%get3A_652, %get3A_653] : memref<5000x128xf32, #tpu.memory_space<vmem>>, vector<100x128xf32>
    %exp3A_655 = math.exp %get3A_654 : vector<100x128xf32>
    %add3A_656 = arith.addf %add3A_651, %exp3A_655 : vector<100x128xf32>
    %get3A_657 = arith.constant 3200 : index
    %get3A_658 = arith.constant 0 : index
    %get3A_659 = vector.load %arg4[%get3A_657, %get3A_658] : memref<5000x128xf32, #tpu.memory_space<vmem>>, vector<100x128xf32>
    %exp3A_660 = math.exp %get3A_659 : vector<100x128xf32>
    %add3A_661 = arith.addf %add3A_656, %exp3A_660 : vector<100x128xf32>
    %get3A_662 = arith.constant 3300 : index
    %get3A_663 = arith.constant 0 : index
    %get3A_664 = vector.load %arg1[%get3A_662, %get3A_663] : memref<5000x128xf32, #tpu.memory_space<vmem>>, vector<100x128xf32>
    %exp3A_665 = math.exp %get3A_664 : vector<100x128xf32>
    %add3A_666 = arith.addf %add3A_661, %exp3A_665 : vector<100x128xf32>
    %get3A_667 = arith.constant 3300 : index
    %get3A_668 = arith.constant 0 : index
    %get3A_669 = vector.load %arg2[%get3A_667, %get3A_668] : memref<5000x128xf32, #tpu.memory_space<vmem>>, vector<100x128xf32>
    %exp3A_670 = math.exp %get3A_669 : vector<100x128xf32>
    %add3A_671 = arith.addf %add3A_666, %exp3A_670 : vector<100x128xf32>
    %get3A_672 = arith.constant 3300 : index
    %get3A_673 = arith.constant 0 : index
    %get3A_674 = vector.load %arg3[%get3A_672, %get3A_673] : memref<5000x128xf32, #tpu.memory_space<vmem>>, vector<100x128xf32>
    %exp3A_675 = math.exp %get3A_674 : vector<100x128xf32>
    %add3A_676 = arith.addf %add3A_671, %exp3A_675 : vector<100x128xf32>
    %get3A_677 = arith.constant 3300 : index
    %get3A_678 = arith.constant 0 : index
    %get3A_679 = vector.load %arg4[%get3A_677, %get3A_678] : memref<5000x128xf32, #tpu.memory_space<vmem>>, vector<100x128xf32>
    %exp3A_680 = math.exp %get3A_679 : vector<100x128xf32>
    %add3A_681 = arith.addf %add3A_676, %exp3A_680 : vector<100x128xf32>
    %get3A_682 = arith.constant 3400 : index
    %get3A_683 = arith.constant 0 : index
    %get3A_684 = vector.load %arg1[%get3A_682, %get3A_683] : memref<5000x128xf32, #tpu.memory_space<vmem>>, vector<100x128xf32>
    %exp3A_685 = math.exp %get3A_684 : vector<100x128xf32>
    %add3A_686 = arith.addf %add3A_681, %exp3A_685 : vector<100x128xf32>
    %get3A_687 = arith.constant 3400 : index
    %get3A_688 = arith.constant 0 : index
    %get3A_689 = vector.load %arg2[%get3A_687, %get3A_688] : memref<5000x128xf32, #tpu.memory_space<vmem>>, vector<100x128xf32>
    %exp3A_690 = math.exp %get3A_689 : vector<100x128xf32>
    %add3A_691 = arith.addf %add3A_686, %exp3A_690 : vector<100x128xf32>
    %get3A_692 = arith.constant 3400 : index
    %get3A_693 = arith.constant 0 : index
    %get3A_694 = vector.load %arg3[%get3A_692, %get3A_693] : memref<5000x128xf32, #tpu.memory_space<vmem>>, vector<100x128xf32>
    %exp3A_695 = math.exp %get3A_694 : vector<100x128xf32>
    %add3A_696 = arith.addf %add3A_691, %exp3A_695 : vector<100x128xf32>
    %get3A_697 = arith.constant 3400 : index
    %get3A_698 = arith.constant 0 : index
    %get3A_699 = vector.load %arg4[%get3A_697, %get3A_698] : memref<5000x128xf32, #tpu.memory_space<vmem>>, vector<100x128xf32>
    %exp3A_700 = math.exp %get3A_699 : vector<100x128xf32>
    %add3A_701 = arith.addf %add3A_696, %exp3A_700 : vector<100x128xf32>
    %get3A_702 = arith.constant 3500 : index
    %get3A_703 = arith.constant 0 : index
    %get3A_704 = vector.load %arg1[%get3A_702, %get3A_703] : memref<5000x128xf32, #tpu.memory_space<vmem>>, vector<100x128xf32>
    %exp3A_705 = math.exp %get3A_704 : vector<100x128xf32>
    %add3A_706 = arith.addf %add3A_701, %exp3A_705 : vector<100x128xf32>
    %get3A_707 = arith.constant 3500 : index
    %get3A_708 = arith.constant 0 : index
    %get3A_709 = vector.load %arg2[%get3A_707, %get3A_708] : memref<5000x128xf32, #tpu.memory_space<vmem>>, vector<100x128xf32>
    %exp3A_710 = math.exp %get3A_709 : vector<100x128xf32>
    %add3A_711 = arith.addf %add3A_706, %exp3A_710 : vector<100x128xf32>
    %get3A_712 = arith.constant 3500 : index
    %get3A_713 = arith.constant 0 : index
    %get3A_714 = vector.load %arg3[%get3A_712, %get3A_713] : memref<5000x128xf32, #tpu.memory_space<vmem>>, vector<100x128xf32>
    %exp3A_715 = math.exp %get3A_714 : vector<100x128xf32>
    %add3A_716 = arith.addf %add3A_711, %exp3A_715 : vector<100x128xf32>
    %get3A_717 = arith.constant 3500 : index
    %get3A_718 = arith.constant 0 : index
    %get3A_719 = vector.load %arg4[%get3A_717, %get3A_718] : memref<5000x128xf32, #tpu.memory_space<vmem>>, vector<100x128xf32>
    %exp3A_720 = math.exp %get3A_719 : vector<100x128xf32>
    %add3A_721 = arith.addf %add3A_716, %exp3A_720 : vector<100x128xf32>
    %get3A_722 = arith.constant 3600 : index
    %get3A_723 = arith.constant 0 : index
    %get3A_724 = vector.load %arg1[%get3A_722, %get3A_723] : memref<5000x128xf32, #tpu.memory_space<vmem>>, vector<100x128xf32>
    %exp3A_725 = math.exp %get3A_724 : vector<100x128xf32>
    %add3A_726 = arith.addf %add3A_721, %exp3A_725 : vector<100x128xf32>
    %get3A_727 = arith.constant 3600 : index
    %get3A_728 = arith.constant 0 : index
    %get3A_729 = vector.load %arg2[%get3A_727, %get3A_728] : memref<5000x128xf32, #tpu.memory_space<vmem>>, vector<100x128xf32>
    %exp3A_730 = math.exp %get3A_729 : vector<100x128xf32>
    %add3A_731 = arith.addf %add3A_726, %exp3A_730 : vector<100x128xf32>
    %get3A_732 = arith.constant 3600 : index
    %get3A_733 = arith.constant 0 : index
    %get3A_734 = vector.load %arg3[%get3A_732, %get3A_733] : memref<5000x128xf32, #tpu.memory_space<vmem>>, vector<100x128xf32>
    %exp3A_735 = math.exp %get3A_734 : vector<100x128xf32>
    %add3A_736 = arith.addf %add3A_731, %exp3A_735 : vector<100x128xf32>
    %get3A_737 = arith.constant 3600 : index
    %get3A_738 = arith.constant 0 : index
    %get3A_739 = vector.load %arg4[%get3A_737, %get3A_738] : memref<5000x128xf32, #tpu.memory_space<vmem>>, vector<100x128xf32>
    %exp3A_740 = math.exp %get3A_739 : vector<100x128xf32>
    %add3A_741 = arith.addf %add3A_736, %exp3A_740 : vector<100x128xf32>
    %get3A_742 = arith.constant 3700 : index
    %get3A_743 = arith.constant 0 : index
    %get3A_744 = vector.load %arg1[%get3A_742, %get3A_743] : memref<5000x128xf32, #tpu.memory_space<vmem>>, vector<100x128xf32>
    %exp3A_745 = math.exp %get3A_744 : vector<100x128xf32>
    %add3A_746 = arith.addf %add3A_741, %exp3A_745 : vector<100x128xf32>
    %get3A_747 = arith.constant 3700 : index
    %get3A_748 = arith.constant 0 : index
    %get3A_749 = vector.load %arg2[%get3A_747, %get3A_748] : memref<5000x128xf32, #tpu.memory_space<vmem>>, vector<100x128xf32>
    %exp3A_750 = math.exp %get3A_749 : vector<100x128xf32>
    %add3A_751 = arith.addf %add3A_746, %exp3A_750 : vector<100x128xf32>
    %get3A_752 = arith.constant 3700 : index
    %get3A_753 = arith.constant 0 : index
    %get3A_754 = vector.load %arg3[%get3A_752, %get3A_753] : memref<5000x128xf32, #tpu.memory_space<vmem>>, vector<100x128xf32>
    %exp3A_755 = math.exp %get3A_754 : vector<100x128xf32>
    %add3A_756 = arith.addf %add3A_751, %exp3A_755 : vector<100x128xf32>
    %get3A_757 = arith.constant 3700 : index
    %get3A_758 = arith.constant 0 : index
    %get3A_759 = vector.load %arg4[%get3A_757, %get3A_758] : memref<5000x128xf32, #tpu.memory_space<vmem>>, vector<100x128xf32>
    %exp3A_760 = math.exp %get3A_759 : vector<100x128xf32>
    %add3A_761 = arith.addf %add3A_756, %exp3A_760 : vector<100x128xf32>
    %get3A_762 = arith.constant 3800 : index
    %get3A_763 = arith.constant 0 : index
    %get3A_764 = vector.load %arg1[%get3A_762, %get3A_763] : memref<5000x128xf32, #tpu.memory_space<vmem>>, vector<100x128xf32>
    %exp3A_765 = math.exp %get3A_764 : vector<100x128xf32>
    %add3A_766 = arith.addf %add3A_761, %exp3A_765 : vector<100x128xf32>
    %get3A_767 = arith.constant 3800 : index
    %get3A_768 = arith.constant 0 : index
    %get3A_769 = vector.load %arg2[%get3A_767, %get3A_768] : memref<5000x128xf32, #tpu.memory_space<vmem>>, vector<100x128xf32>
    %exp3A_770 = math.exp %get3A_769 : vector<100x128xf32>
    %add3A_771 = arith.addf %add3A_766, %exp3A_770 : vector<100x128xf32>
    %get3A_772 = arith.constant 3800 : index
    %get3A_773 = arith.constant 0 : index
    %get3A_774 = vector.load %arg3[%get3A_772, %get3A_773] : memref<5000x128xf32, #tpu.memory_space<vmem>>, vector<100x128xf32>
    %exp3A_775 = math.exp %get3A_774 : vector<100x128xf32>
    %add3A_776 = arith.addf %add3A_771, %exp3A_775 : vector<100x128xf32>
    %get3A_777 = arith.constant 3800 : index
    %get3A_778 = arith.constant 0 : index
    %get3A_779 = vector.load %arg4[%get3A_777, %get3A_778] : memref<5000x128xf32, #tpu.memory_space<vmem>>, vector<100x128xf32>
    %exp3A_780 = math.exp %get3A_779 : vector<100x128xf32>
    %add3A_781 = arith.addf %add3A_776, %exp3A_780 : vector<100x128xf32>
    %get3A_782 = arith.constant 3900 : index
    %get3A_783 = arith.constant 0 : index
    %get3A_784 = vector.load %arg1[%get3A_782, %get3A_783] : memref<5000x128xf32, #tpu.memory_space<vmem>>, vector<100x128xf32>
    %exp3A_785 = math.exp %get3A_784 : vector<100x128xf32>
    %add3A_786 = arith.addf %add3A_781, %exp3A_785 : vector<100x128xf32>
    %get3A_787 = arith.constant 3900 : index
    %get3A_788 = arith.constant 0 : index
    %get3A_789 = vector.load %arg2[%get3A_787, %get3A_788] : memref<5000x128xf32, #tpu.memory_space<vmem>>, vector<100x128xf32>
    %exp3A_790 = math.exp %get3A_789 : vector<100x128xf32>
    %add3A_791 = arith.addf %add3A_786, %exp3A_790 : vector<100x128xf32>
    %get3A_792 = arith.constant 3900 : index
    %get3A_793 = arith.constant 0 : index
    %get3A_794 = vector.load %arg3[%get3A_792, %get3A_793] : memref<5000x128xf32, #tpu.memory_space<vmem>>, vector<100x128xf32>
    %exp3A_795 = math.exp %get3A_794 : vector<100x128xf32>
    %add3A_796 = arith.addf %add3A_791, %exp3A_795 : vector<100x128xf32>
    %get3A_797 = arith.constant 3900 : index
    %get3A_798 = arith.constant 0 : index
    %get3A_799 = vector.load %arg4[%get3A_797, %get3A_798] : memref<5000x128xf32, #tpu.memory_space<vmem>>, vector<100x128xf32>
    %exp3A_800 = math.exp %get3A_799 : vector<100x128xf32>
    %add3A_801 = arith.addf %add3A_796, %exp3A_800 : vector<100x128xf32>
    %get3A_802 = arith.constant 4000 : index
    %get3A_803 = arith.constant 0 : index
    %get3A_804 = vector.load %arg1[%get3A_802, %get3A_803] : memref<5000x128xf32, #tpu.memory_space<vmem>>, vector<100x128xf32>
    %exp3A_805 = math.exp %get3A_804 : vector<100x128xf32>
    %add3A_806 = arith.addf %add3A_801, %exp3A_805 : vector<100x128xf32>
    %get3A_807 = arith.constant 4000 : index
    %get3A_808 = arith.constant 0 : index
    %get3A_809 = vector.load %arg2[%get3A_807, %get3A_808] : memref<5000x128xf32, #tpu.memory_space<vmem>>, vector<100x128xf32>
    %exp3A_810 = math.exp %get3A_809 : vector<100x128xf32>
    %add3A_811 = arith.addf %add3A_806, %exp3A_810 : vector<100x128xf32>
    %get3A_812 = arith.constant 4000 : index
    %get3A_813 = arith.constant 0 : index
    %get3A_814 = vector.load %arg3[%get3A_812, %get3A_813] : memref<5000x128xf32, #tpu.memory_space<vmem>>, vector<100x128xf32>
    %exp3A_815 = math.exp %get3A_814 : vector<100x128xf32>
    %add3A_816 = arith.addf %add3A_811, %exp3A_815 : vector<100x128xf32>
    %get3A_817 = arith.constant 4000 : index
    %get3A_818 = arith.constant 0 : index
    %get3A_819 = vector.load %arg4[%get3A_817, %get3A_818] : memref<5000x128xf32, #tpu.memory_space<vmem>>, vector<100x128xf32>
    %exp3A_820 = math.exp %get3A_819 : vector<100x128xf32>
    %add3A_821 = arith.addf %add3A_816, %exp3A_820 : vector<100x128xf32>
    %get3A_822 = arith.constant 4100 : index
    %get3A_823 = arith.constant 0 : index
    %get3A_824 = vector.load %arg1[%get3A_822, %get3A_823] : memref<5000x128xf32, #tpu.memory_space<vmem>>, vector<100x128xf32>
    %exp3A_825 = math.exp %get3A_824 : vector<100x128xf32>
    %add3A_826 = arith.addf %add3A_821, %exp3A_825 : vector<100x128xf32>
    %get3A_827 = arith.constant 4100 : index
    %get3A_828 = arith.constant 0 : index
    %get3A_829 = vector.load %arg2[%get3A_827, %get3A_828] : memref<5000x128xf32, #tpu.memory_space<vmem>>, vector<100x128xf32>
    %exp3A_830 = math.exp %get3A_829 : vector<100x128xf32>
    %add3A_831 = arith.addf %add3A_826, %exp3A_830 : vector<100x128xf32>
    %get3A_832 = arith.constant 4100 : index
    %get3A_833 = arith.constant 0 : index
    %get3A_834 = vector.load %arg3[%get3A_832, %get3A_833] : memref<5000x128xf32, #tpu.memory_space<vmem>>, vector<100x128xf32>
    %exp3A_835 = math.exp %get3A_834 : vector<100x128xf32>
    %add3A_836 = arith.addf %add3A_831, %exp3A_835 : vector<100x128xf32>
    %get3A_837 = arith.constant 4100 : index
    %get3A_838 = arith.constant 0 : index
    %get3A_839 = vector.load %arg4[%get3A_837, %get3A_838] : memref<5000x128xf32, #tpu.memory_space<vmem>>, vector<100x128xf32>
    %exp3A_840 = math.exp %get3A_839 : vector<100x128xf32>
    %add3A_841 = arith.addf %add3A_836, %exp3A_840 : vector<100x128xf32>
    %get3A_842 = arith.constant 4200 : index
    %get3A_843 = arith.constant 0 : index
    %get3A_844 = vector.load %arg1[%get3A_842, %get3A_843] : memref<5000x128xf32, #tpu.memory_space<vmem>>, vector<100x128xf32>
    %exp3A_845 = math.exp %get3A_844 : vector<100x128xf32>
    %add3A_846 = arith.addf %add3A_841, %exp3A_845 : vector<100x128xf32>
    %get3A_847 = arith.constant 4200 : index
    %get3A_848 = arith.constant 0 : index
    %get3A_849 = vector.load %arg2[%get3A_847, %get3A_848] : memref<5000x128xf32, #tpu.memory_space<vmem>>, vector<100x128xf32>
    %exp3A_850 = math.exp %get3A_849 : vector<100x128xf32>
    %add3A_851 = arith.addf %add3A_846, %exp3A_850 : vector<100x128xf32>
    %get3A_852 = arith.constant 4200 : index
    %get3A_853 = arith.constant 0 : index
    %get3A_854 = vector.load %arg3[%get3A_852, %get3A_853] : memref<5000x128xf32, #tpu.memory_space<vmem>>, vector<100x128xf32>
    %exp3A_855 = math.exp %get3A_854 : vector<100x128xf32>
    %add3A_856 = arith.addf %add3A_851, %exp3A_855 : vector<100x128xf32>
    %get3A_857 = arith.constant 4200 : index
    %get3A_858 = arith.constant 0 : index
    %get3A_859 = vector.load %arg4[%get3A_857, %get3A_858] : memref<5000x128xf32, #tpu.memory_space<vmem>>, vector<100x128xf32>
    %exp3A_860 = math.exp %get3A_859 : vector<100x128xf32>
    %add3A_861 = arith.addf %add3A_856, %exp3A_860 : vector<100x128xf32>
    %get3A_862 = arith.constant 4300 : index
    %get3A_863 = arith.constant 0 : index
    %get3A_864 = vector.load %arg1[%get3A_862, %get3A_863] : memref<5000x128xf32, #tpu.memory_space<vmem>>, vector<100x128xf32>
    %exp3A_865 = math.exp %get3A_864 : vector<100x128xf32>
    %add3A_866 = arith.addf %add3A_861, %exp3A_865 : vector<100x128xf32>
    %get3A_867 = arith.constant 4300 : index
    %get3A_868 = arith.constant 0 : index
    %get3A_869 = vector.load %arg2[%get3A_867, %get3A_868] : memref<5000x128xf32, #tpu.memory_space<vmem>>, vector<100x128xf32>
    %exp3A_870 = math.exp %get3A_869 : vector<100x128xf32>
    %add3A_871 = arith.addf %add3A_866, %exp3A_870 : vector<100x128xf32>
    %get3A_872 = arith.constant 4300 : index
    %get3A_873 = arith.constant 0 : index
    %get3A_874 = vector.load %arg3[%get3A_872, %get3A_873] : memref<5000x128xf32, #tpu.memory_space<vmem>>, vector<100x128xf32>
    %exp3A_875 = math.exp %get3A_874 : vector<100x128xf32>
    %add3A_876 = arith.addf %add3A_871, %exp3A_875 : vector<100x128xf32>
    %get3A_877 = arith.constant 4300 : index
    %get3A_878 = arith.constant 0 : index
    %get3A_879 = vector.load %arg4[%get3A_877, %get3A_878] : memref<5000x128xf32, #tpu.memory_space<vmem>>, vector<100x128xf32>
    %exp3A_880 = math.exp %get3A_879 : vector<100x128xf32>
    %add3A_881 = arith.addf %add3A_876, %exp3A_880 : vector<100x128xf32>
    %get3A_882 = arith.constant 4400 : index
    %get3A_883 = arith.constant 0 : index
    %get3A_884 = vector.load %arg1[%get3A_882, %get3A_883] : memref<5000x128xf32, #tpu.memory_space<vmem>>, vector<100x128xf32>
    %exp3A_885 = math.exp %get3A_884 : vector<100x128xf32>
    %add3A_886 = arith.addf %add3A_881, %exp3A_885 : vector<100x128xf32>
    %get3A_887 = arith.constant 4400 : index
    %get3A_888 = arith.constant 0 : index
    %get3A_889 = vector.load %arg2[%get3A_887, %get3A_888] : memref<5000x128xf32, #tpu.memory_space<vmem>>, vector<100x128xf32>
    %exp3A_890 = math.exp %get3A_889 : vector<100x128xf32>
    %add3A_891 = arith.addf %add3A_886, %exp3A_890 : vector<100x128xf32>
    %get3A_892 = arith.constant 4400 : index
    %get3A_893 = arith.constant 0 : index
    %get3A_894 = vector.load %arg3[%get3A_892, %get3A_893] : memref<5000x128xf32, #tpu.memory_space<vmem>>, vector<100x128xf32>
    %exp3A_895 = math.exp %get3A_894 : vector<100x128xf32>
    %add3A_896 = arith.addf %add3A_891, %exp3A_895 : vector<100x128xf32>
    %get3A_897 = arith.constant 4400 : index
    %get3A_898 = arith.constant 0 : index
    %get3A_899 = vector.load %arg4[%get3A_897, %get3A_898] : memref<5000x128xf32, #tpu.memory_space<vmem>>, vector<100x128xf32>
    %exp3A_900 = math.exp %get3A_899 : vector<100x128xf32>
    %add3A_901 = arith.addf %add3A_896, %exp3A_900 : vector<100x128xf32>
    %get3A_902 = arith.constant 4500 : index
    %get3A_903 = arith.constant 0 : index
    %get3A_904 = vector.load %arg1[%get3A_902, %get3A_903] : memref<5000x128xf32, #tpu.memory_space<vmem>>, vector<100x128xf32>
    %exp3A_905 = math.exp %get3A_904 : vector<100x128xf32>
    %add3A_906 = arith.addf %add3A_901, %exp3A_905 : vector<100x128xf32>
    %get3A_907 = arith.constant 4500 : index
    %get3A_908 = arith.constant 0 : index
    %get3A_909 = vector.load %arg2[%get3A_907, %get3A_908] : memref<5000x128xf32, #tpu.memory_space<vmem>>, vector<100x128xf32>
    %exp3A_910 = math.exp %get3A_909 : vector<100x128xf32>
    %add3A_911 = arith.addf %add3A_906, %exp3A_910 : vector<100x128xf32>
    %get3A_912 = arith.constant 4500 : index
    %get3A_913 = arith.constant 0 : index
    %get3A_914 = vector.load %arg3[%get3A_912, %get3A_913] : memref<5000x128xf32, #tpu.memory_space<vmem>>, vector<100x128xf32>
    %exp3A_915 = math.exp %get3A_914 : vector<100x128xf32>
    %add3A_916 = arith.addf %add3A_911, %exp3A_915 : vector<100x128xf32>
    %get3A_917 = arith.constant 4500 : index
    %get3A_918 = arith.constant 0 : index
    %get3A_919 = vector.load %arg4[%get3A_917, %get3A_918] : memref<5000x128xf32, #tpu.memory_space<vmem>>, vector<100x128xf32>
    %exp3A_920 = math.exp %get3A_919 : vector<100x128xf32>
    %add3A_921 = arith.addf %add3A_916, %exp3A_920 : vector<100x128xf32>
    %get3A_922 = arith.constant 4600 : index
    %get3A_923 = arith.constant 0 : index
    %get3A_924 = vector.load %arg1[%get3A_922, %get3A_923] : memref<5000x128xf32, #tpu.memory_space<vmem>>, vector<100x128xf32>
    %exp3A_925 = math.exp %get3A_924 : vector<100x128xf32>
    %add3A_926 = arith.addf %add3A_921, %exp3A_925 : vector<100x128xf32>
    %get3A_927 = arith.constant 4600 : index
    %get3A_928 = arith.constant 0 : index
    %get3A_929 = vector.load %arg2[%get3A_927, %get3A_928] : memref<5000x128xf32, #tpu.memory_space<vmem>>, vector<100x128xf32>
    %exp3A_930 = math.exp %get3A_929 : vector<100x128xf32>
    %add3A_931 = arith.addf %add3A_926, %exp3A_930 : vector<100x128xf32>
    %get3A_932 = arith.constant 4600 : index
    %get3A_933 = arith.constant 0 : index
    %get3A_934 = vector.load %arg3[%get3A_932, %get3A_933] : memref<5000x128xf32, #tpu.memory_space<vmem>>, vector<100x128xf32>
    %exp3A_935 = math.exp %get3A_934 : vector<100x128xf32>
    %add3A_936 = arith.addf %add3A_931, %exp3A_935 : vector<100x128xf32>
    %get3A_937 = arith.constant 4600 : index
    %get3A_938 = arith.constant 0 : index
    %get3A_939 = vector.load %arg4[%get3A_937, %get3A_938] : memref<5000x128xf32, #tpu.memory_space<vmem>>, vector<100x128xf32>
    %exp3A_940 = math.exp %get3A_939 : vector<100x128xf32>
    %add3A_941 = arith.addf %add3A_936, %exp3A_940 : vector<100x128xf32>
    %get3A_942 = arith.constant 4700 : index
    %get3A_943 = arith.constant 0 : index
    %get3A_944 = vector.load %arg1[%get3A_942, %get3A_943] : memref<5000x128xf32, #tpu.memory_space<vmem>>, vector<100x128xf32>
    %exp3A_945 = math.exp %get3A_944 : vector<100x128xf32>
    %add3A_946 = arith.addf %add3A_941, %exp3A_945 : vector<100x128xf32>
    %get3A_947 = arith.constant 4700 : index
    %get3A_948 = arith.constant 0 : index
    %get3A_949 = vector.load %arg2[%get3A_947, %get3A_948] : memref<5000x128xf32, #tpu.memory_space<vmem>>, vector<100x128xf32>
    %exp3A_950 = math.exp %get3A_949 : vector<100x128xf32>
    %add3A_951 = arith.addf %add3A_946, %exp3A_950 : vector<100x128xf32>
    %get3A_952 = arith.constant 4700 : index
    %get3A_953 = arith.constant 0 : index
    %get3A_954 = vector.load %arg3[%get3A_952, %get3A_953] : memref<5000x128xf32, #tpu.memory_space<vmem>>, vector<100x128xf32>
    %exp3A_955 = math.exp %get3A_954 : vector<100x128xf32>
    %add3A_956 = arith.addf %add3A_951, %exp3A_955 : vector<100x128xf32>
    %get3A_957 = arith.constant 4700 : index
    %get3A_958 = arith.constant 0 : index
    %get3A_959 = vector.load %arg4[%get3A_957, %get3A_958] : memref<5000x128xf32, #tpu.memory_space<vmem>>, vector<100x128xf32>
    %exp3A_960 = math.exp %get3A_959 : vector<100x128xf32>
    %add3A_961 = arith.addf %add3A_956, %exp3A_960 : vector<100x128xf32>
    %get3A_962 = arith.constant 4800 : index
    %get3A_963 = arith.constant 0 : index
    %get3A_964 = vector.load %arg1[%get3A_962, %get3A_963] : memref<5000x128xf32, #tpu.memory_space<vmem>>, vector<100x128xf32>
    %exp3A_965 = math.exp %get3A_964 : vector<100x128xf32>
    %add3A_966 = arith.addf %add3A_961, %exp3A_965 : vector<100x128xf32>
    %get3A_967 = arith.constant 4800 : index
    %get3A_968 = arith.constant 0 : index
    %get3A_969 = vector.load %arg2[%get3A_967, %get3A_968] : memref<5000x128xf32, #tpu.memory_space<vmem>>, vector<100x128xf32>
    %exp3A_970 = math.exp %get3A_969 : vector<100x128xf32>
    %add3A_971 = arith.addf %add3A_966, %exp3A_970 : vector<100x128xf32>
    %get3A_972 = arith.constant 4800 : index
    %get3A_973 = arith.constant 0 : index
    %get3A_974 = vector.load %arg3[%get3A_972, %get3A_973] : memref<5000x128xf32, #tpu.memory_space<vmem>>, vector<100x128xf32>
    %exp3A_975 = math.exp %get3A_974 : vector<100x128xf32>
    %add3A_976 = arith.addf %add3A_971, %exp3A_975 : vector<100x128xf32>
    %get3A_977 = arith.constant 4800 : index
    %get3A_978 = arith.constant 0 : index
    %get3A_979 = vector.load %arg4[%get3A_977, %get3A_978] : memref<5000x128xf32, #tpu.memory_space<vmem>>, vector<100x128xf32>
    %exp3A_980 = math.exp %get3A_979 : vector<100x128xf32>
    %add3A_981 = arith.addf %add3A_976, %exp3A_980 : vector<100x128xf32>
    %get3A_982 = arith.constant 4900 : index
    %get3A_983 = arith.constant 0 : index
    %get3A_984 = vector.load %arg1[%get3A_982, %get3A_983] : memref<5000x128xf32, #tpu.memory_space<vmem>>, vector<100x128xf32>
    %exp3A_985 = math.exp %get3A_984 : vector<100x128xf32>
    %add3A_986 = arith.addf %add3A_981, %exp3A_985 : vector<100x128xf32>
    %get3A_987 = arith.constant 4900 : index
    %get3A_988 = arith.constant 0 : index
    %get3A_989 = vector.load %arg2[%get3A_987, %get3A_988] : memref<5000x128xf32, #tpu.memory_space<vmem>>, vector<100x128xf32>
    %exp3A_990 = math.exp %get3A_989 : vector<100x128xf32>
    %add3A_991 = arith.addf %add3A_986, %exp3A_990 : vector<100x128xf32>
    %get3A_992 = arith.constant 4900 : index
    %get3A_993 = arith.constant 0 : index
    %get3A_994 = vector.load %arg3[%get3A_992, %get3A_993] : memref<5000x128xf32, #tpu.memory_space<vmem>>, vector<100x128xf32>
    %exp3A_995 = math.exp %get3A_994 : vector<100x128xf32>
    %add3A_996 = arith.addf %add3A_991, %exp3A_995 : vector<100x128xf32>
    %get3A_997 = arith.constant 4900 : index
    %get3A_998 = arith.constant 0 : index
    %get3A_999 = vector.load %arg4[%get3A_997, %get3A_998] : memref<5000x128xf32, #tpu.memory_space<vmem>>, vector<100x128xf32>
    %exp3A_1000 = math.exp %get3A_999 : vector<100x128xf32>
    %add3A_1001 = arith.addf %add3A_996, %exp3A_1000 : vector<100x128xf32>
    %swap3A = arith.constant 0 : index
    %swap3A_1002 = arith.constant 0 : index
    %swap3A_1003 = vector.load %arg6[%swap3A, %swap3A_1002] : memref<100x128xf32, #tpu.memory_space<vmem>>, vector<100x128xf32>
    tpu.vector_store %arg6[%swap3A, %swap3A_1002], %add3A_1001 {strides = array<i32>} : memref<100x128xf32, #tpu.memory_space<vmem>>, vector<100x128xf32>,
    %eq3A_1004 = arith.constant 4 : i32
    %eq3A_1005 = arith.cmpi eq, %arg0, %eq3A_1004 : i32
    %convert_element_type3A_1006 = arith.extui %eq3A_1005 : i1 to i32
    %cond3A_1007 = arith.constant 0 : i32
    %cond3A_1008 = arith.cmpi ne, %convert_element_type3A_1006, %cond3A_1007 : i32
    scf.if %cond3A_1008 {
      %get3A_1009 = arith.constant 0 : index
      %get3A_1010 = arith.constant 0 : index
      %get3A_1011 = vector.load %arg6[%get3A_1009, %get3A_1010] : memref<100x128xf32, #tpu.memory_space<vmem>>, vector<100x128xf32>
      %reduce_sum3A = arith.constant dense<0.000000e+00> : vector<128xf32>
      %reduce_sum3A_1012 = vector.multi_reduction <add>, %get3A_1011, %reduce_sum3A [0] : vector<100x128xf32> to vector<128xf32>
      %broadcast_in_dim3A = vector.shape_cast %reduce_sum3A_1012 : vector<128xf32> to vector<1x128xf32>
      %log3A = math.log %broadcast_in_dim3A : vector<1x128xf32>
      %swap3A_1013 = arith.constant 0 : index
      %swap3A_1014 = arith.constant 0 : index
      %swap3A_1015 = vector.load %arg5[%swap3A_1013, %swap3A_1014] : memref<1x128xf32, #tpu.memory_space<vmem>>, vector<1x128xf32>
      tpu.vector_store %arg5[%swap3A_1013, %swap3A_1014], %log3A {strides = array<i32>} : memref<1x128xf32, #tpu.memory_space<vmem>>, vector<1x128xf32>,
    } else {
    }
    return
  }
  func.func @transform_0(%arg0: i32) -> (i32, i32) {
    %add3A = arith.constant 0 : i32
    %add3A_0 = arith.addi %arg0, %add3A : i32
    %c0_i32 = arith.constant 0 : i32
    %c0_i32_1 = arith.constant 0 : i32
    return %add3A_0, %c0_i32 : i32, i32
  }
  func.func @transform_1(%arg0: i32) -> (i32, i32) {
    %add3A = arith.constant 5 : i32
    %add3A_0 = arith.addi %arg0, %add3A : i32
    %c0_i32 = arith.constant 0 : i32
    %c0_i32_1 = arith.constant 0 : i32
    return %add3A_0, %c0_i32 : i32, i32
  }
  func.func @transform_2(%arg0: i32) -> (i32, i32) {
    %add3A = arith.constant 10 : i32
    %add3A_0 = arith.addi %arg0, %add3A : i32
    %c0_i32 = arith.constant 0 : i32
    %c0_i32_1 = arith.constant 0 : i32
    return %add3A_0, %c0_i32 : i32, i32
  }
  func.func @transform_3(%arg0: i32) -> (i32, i32) {
    %add3A = arith.constant 15 : i32
    %add3A_0 = arith.addi %arg0, %add3A : i32
    %c0_i32 = arith.constant 0 : i32
    %c0_i32_1 = arith.constant 0 : i32
    return %add3A_0, %c0_i32 : i32, i32
  }
  func.func @transform_4(%arg0: i32) -> (i32, i32) {
    %c0_i32 = arith.constant 0 : i32
    %c0_i32_0 = arith.constant 0 : i32
    %c0_i32_1 = arith.constant 0 : i32
    return %c0_i32, %c0_i32_0 : i32, i32
  }
}

</mosaic_0001>

<sc_bundles>
// kernel: kernel.4.cloned.1.call-start
scs
__scs_entry_jumppad:
0x0: {  	(pc) =	sbr.rel $0x88, $3  }
0x1: {  	(tag) =	ssettag $0x0;
	lr =	simm.s32 $0x1  }
0x2: {  	[smem:$0x3F9F] =	sst lr;
	_ =	strace $0xD0000000  }
0x3: {  	_ = 	snop  }
0x4: {  	_ = 	snop  }
0x5: {  	_ = 	snop  }
0x6: {  	_ = 	snop  }
0x7: {  	_ = 	snop  }
__scs_overlays_trampoline_lowered:
0x8: {  	[smem:$0x3FAE] =	sst s0  }
0x9: {  	[smem:$0x3FAF] =	sst s1  }
0xa: {  	[smem:$0x3FB0] =	sst s2  }
0xb: {  	[smem:$0x3FB1] =	sst s3  }
0xc: {  	[smem:$0x3FB2] =	sst s4  }
0xd: {  	[smem:$0x3FB3] =	sst s5  }
0xe: {  	[smem:$0x3FB4] =	sst s6  }
0xf: {  	[smem:$0x3FB5] =	sst s7  }
0x10: {  	[smem:$0x3FB6] =	sst s8  }
0x11: {  	[smem:$0x3FB7] =	sst s9;
	s0 =	simm.s32 @!p0 $0x0  }
0x12: {  	s1 =	sld [smem:$0x3F9D];
	s0 =	simm.s32 @p0 $0x1  }
0x13: {  	[smem:$0x3FB8] =	sst s0;
	s0 =	simm.s32 @!p1 $0x0  }
0x14: {  	s2 =	sld [smem:$0x3F9C];
	s0 =	simm.s32 @p1 $0x1  }
0x15: {  	[smem:$0x3FB9] =	sst s0;
	s0 =	simm.s32 @!p2 $0x0  }
0x16: {  	s3 =	sld [smem:$0x3FDB];
	s0 =	simm.s32 @p2 $0x1  }
0x17: {  	s4 =	simm.s32 $0x1BF5;
	[smem:$0x3FBB] =	sst s0  }
0x18: {  	s0 =	sld [smem:$0x3F9E];
	_ =	swait.ge [sflag:s4], $0x0  }
0x19: {  	s7 =	sld [smem:$0x3F9F]  }
0x1a: {  	s8 =	sadd.s32 $0xFFFFE003, lr  }
0x1b: {  	s9 =	sadd.s32 $0xFFFFFEF7, lr;
	s5 =	simm.s32 $0xFFFFFFFF;
	p2 =	slt.u32 s8, $0xFFFFF086  }
0x1c: {  	p1 =	slt.u32 s9, $0xF7A;
	s5 =	simm.s32 @!p2 $0x0  }
0x1d: {  	s5 =	simm.s32 @p1 $0x1;
	p0 =	seq.s32 s7, s2  }
0x1e: {  	s7 =	smul.u32 @!p0 $0xF7A, s2;
	p2 =	seq.s32 @!p0 s5, $0x0  }
0x1f: {  	s9 =	smul.u32 $0xF7A, s1;
	s8 =	simm.s32 @!p0 $0x1BF5;
	p2 =	por !p2, p0  }
0x20: {  	[sflag:s8] =	ssyncset.s32 @!p0 $0xFFFFF086;
	s6 =	sadd.s32 @!p0 s3, s7;
	s7 =	simm.s32 @!p0 $0x108  }
0x21: {  	s3 =	sadd.s32 s3, s9;
	s6 =	sadd.s32 @!p0 $0x88, s6;
	s7 =	simm.s32 @p2 $0x1082  }
0x22: {  	[simem:s7], [sflag:s8] =	dma.local @!p0 [hbm:s6], $0xF7A  }
0x23: {  	s9 =	sor.u32 $0xD0000000, s2;
	s6 =	simm.s32 $0x108;
	_ =	swait.ge @!p0 [sflag:s8], $0x0  }
0x24: {  	s3 =	sadd.s32 $0x88, s3;
	s6 =	simm.s32 @!p1 $0x1082;
	[sflag:s4] =	ssyncset.s32 $0xFFFFF086  }
0x25: {  	[simem:s6], [sflag:s4] =	dma.local [hbm:s3], $0xF7A  }
0x26: {  	[smem:$0x3F9F] =	sst s1;
	(tag) =	ssettag s2;
	_ =	strace s9  }
0x27: {  	s1 =	sld [smem:$0x3FAF]  }
0x28: {  	s2 =	sld [smem:$0x3FB0]  }
0x29: {  	s4 =	sld [smem:$0x3FB2]  }
0x2a: {  	p0 =	seq.s32 s5, $0x0;
	s5 =	sld [smem:$0x3FB3]  }
0x2b: {  	s6 =	sld [smem:$0x3FB4]  }
0x2c: {  	s7 =	sld [smem:$0x3FB5]  }
0x2d: {  	s3 =	simm.s32 $0x108;
	s8 =	sld [smem:$0x3FB6]  }
0x2e: {  	s3 =	simm.s32 @!p0 $0x1082;
	s9 =	sld [smem:$0x3FB7]  }
0x2f: {  	lr =	sadd.s32 s0, s3;
	s0 =	sld [smem:$0x3FAE]  }
0x30: {  	s3 =	sld [smem:$0x3FB1]  }
0x31: {  	[smem:$0x3FBA] =	sst s10  }
0x32: {  	s10 =	sld [smem:$0x3FB8];
	_ =	sdelay $0x3  }
0x33: {  	p0 =	seq.s32 s10, $0x1;
	s10 =	sld [smem:$0x3FBA];
	_ =	sdelay $0x3  }
0x34: {  	[smem:$0x3FBA] =	sst s10  }
0x35: {  	s10 =	sld [smem:$0x3FB9];
	_ =	sdelay $0x3  }
0x36: {  	p1 =	seq.s32 s10, $0x1;
	s10 =	sld [smem:$0x3FBA];
	_ =	sdelay $0x3  }
0x37: {  	[smem:$0x3FBA] =	sst s10  }
0x38: {  	s10 =	sld [smem:$0x3FBB]  }
0x39: {  	_ = 	snop;
	(pc) =	sbr.ind lr, $3  }
0x3a: {  	_ = 	snop  }
0x3b: {  	_ = 	snop  }
0x3c: {  	p2 =	seq.s32 s10, $0x1;
	s10 =	sld [smem:$0x3FBA]  }
0x3d: {  	_ =	shalt  }
0x3e: {  	_ =	shalt  }
0x3f: {  	_ =	shalt  }
0x40: {  	_ =	shalt  }
0x41: {  	_ =	shalt  }
0x42: {  	_ =	shalt  }
0x43: {  	_ =	shalt  }
0x44: {  	_ =	shalt  }
0x45: {  	_ =	shalt  }
0x46: {  	_ =	shalt  }
0x47: {  	_ =	shalt  }
0x48: {  	_ =	shalt  }
0x49: {  	_ =	shalt  }
0x4a: {  	_ =	shalt  }
0x4b: {  	_ =	shalt  }
0x4c: {  	_ =	shalt  }
0x4d: {  	_ =	shalt  }
0x4e: {  	_ =	shalt  }
0x4f: {  	_ =	shalt  }
0x50: {  	_ =	shalt  }
0x51: {  	_ =	shalt  }
0x52: {  	_ =	shalt  }
0x53: {  	_ =	shalt  }
0x54: {  	_ =	shalt  }
0x55: {  	_ =	shalt  }
0x56: {  	_ =	shalt  }
0x57: {  	_ =	shalt  }
0x58: {  	_ =	shalt  }
0x59: {  	_ =	shalt  }
0x5a: {  	_ =	shalt  }
0x5b: {  	_ =	shalt  }
0x5c: {  	_ =	shalt  }
0x5d: {  	_ =	shalt  }
0x5e: {  	_ =	shalt  }
0x5f: {  	_ =	shalt  }
0x60: {  	_ =	shalt  }
0x61: {  	_ =	shalt  }
0x62: {  	_ =	shalt  }
0x63: {  	_ =	shalt  }
0x64: {  	_ =	shalt  }
0x65: {  	_ =	shalt  }
0x66: {  	_ =	shalt  }
0x67: {  	_ =	shalt  }
0x68: {  	_ =	shalt  }
0x69: {  	_ =	shalt  }
0x6a: {  	_ =	shalt  }
0x6b: {  	_ =	shalt  }
0x6c: {  	_ =	shalt  }
0x6d: {  	_ =	shalt  }
0x6e: {  	_ =	shalt  }
0x6f: {  	_ =	shalt  }
0x70: {  	_ =	shalt  }
0x71: {  	_ =	shalt  }
0x72: {  	_ =	shalt  }
0x73: {  	_ =	shalt  }
0x74: {  	_ =	shalt  }
0x75: {  	_ =	shalt  }
0x76: {  	_ =	shalt  }
0x77: {  	_ =	shalt  }
0x78: {  	_ =	shalt  }
0x79: {  	_ =	shalt  }
0x7a: {  	_ =	shalt  }
0x7b: {  	_ =	shalt  }
0x7c: {  	_ =	shalt  }
0x7d: {  	_ =	shalt  }
0x7e: {  	_ =	shalt  }
0x7f: {  	_ =	shalt  }
0x80: {  	_ =	shalt  }
0x81: {  	_ =	shalt  }
0x82: {  	_ =	shalt  }
0x83: {  	_ =	shalt  }
0x84: {  	_ =	shalt  }
0x85: {  	_ =	shalt  }
0x86: {  	_ =	shalt  }
0x87: {  	_ =	shalt  }
.Lfunc_end0:
.L_simem_size_0:
called_computation_lowered:
.L_overlay_start_0:
0x88: {  	s2 =	sld [smem:$0x3FD9]  }
0x89: {  	s3 =	sld [smem:$0x3FFE];
	_ =	sdelay $0x1  }
0x8a: {  	s1 =	srdreg.scid  }
0x8b: {  	s0 =	sand.u32 $0x1, s1  }
0x8c: {  	s17 =	sshll.u32 s0, $0xA;
	s2 =	sadd.s32 s3, s2  }
0x8d: {  	s2 =	sadd.s32 s2, s17  }
0x8e: {  	[smem:$0x3FC6] =	sst s2  }
0x8f: {  	_ = 	snop  }
0x90: {  	s2 =	sld [smem:$0x3FC9]  }
0x91: {  	s18 =	sld [smem:$0x3FC8]  }
0x92: {  	s4 =	sld [smem:$0x3FD0];
	(tm) =	ssettm $0x1  }
0x93: {  	s5 =	sld [smem:$0x3FFB];
	_ =	sdelay $0x3  }
0x94: {  	_ =	strace s5  }
0x95: {  	s5 =	sld [smem:$0x3FFC];
	_ =	sdelay $0x3  }
0x96: {  	_ =	strace s5  }
0x97: {  	s5 =	sld [smem:$0x3FFD];
	_ =	sdelay $0x3  }
0x98: {  	_ =	strace s5  }
0x99: {  	_ =	strace $0x8FFFFFFF  }
0x9a: {  	s19 =	sld [smem:$0x3FDB];
	_ =	sdelay $0x1  }
0x9b: {  	s6 =	simm.s32 $_scs_section_size  }
0x9c: {  	s7 =	simm.s32 $_size__tile_overlayer_lowered;
	s8 =	simm.s32 $_tile_overlayer_lowered  }
0x9d: {  	s22 =	simm.s32 $0x1BFF;
	s21 =	sshll.u32 s8, $0x1;
	s5 =	sadd.s32 s6, s19  }
0x9e: {  	s9 =	simm.s32 $0x0;
	s20 =	sshll.u32 s7, $0x1;
	s7 =	sadd.s32 s21, s5  }
0x9f: {  	[timem:s9], [sflag:s22] =	dma.local [hbm:s7], s20  }
0xa0: {  	_ =	swait.ge [sflag:s22], s20  }
0xa1: {  	s6 =	ssub.s32 $0x0, s20;
	[sflag:s22] =	ssyncset.done $0x0  }
0xa2: {  	[sflag:s22] =	ssyncadd.s32 s6;
	_ =	sdelay $0x1  }
0xa3: {  	s23 =	simm.s32 $0x1B8B  }
0xa4: {  	_ =	swait.ge [sflag:s23], $0x1  }
0xa5: {  	[sflag:s23] =	ssyncset.done $0x0  }
0xa6: {  	s25 =	simm.s32 $0x1B8E;
	s24 =	sld [smem:$0x3FFE];
	[sflag:s23] =	ssyncadd.s32 $0xFFFFFFFF  }
0xa7: {  	s26 =	simm.s32 $execute0_lowered;
	[smem:$0x3FD2] =	sst s25  }
0xa8: {  	s7 =	sshll.u32 s26, $0x1;
	_ =	strace $0x80000046;
	[dreg:$0x1] =	wrdreg $0xFFFFFFFF  }
0xa9: {  	s28 =	simm.s32 $_size_execute0_lowered;
	s5 =	sadd.s32 s5, s7;
	[dreg:$0x0] =	wrdreg $0x0  }
0xaa: {  	s7 =	sshll.u32 s28, $0x1;
	[dreg:$0x2] =	wrdreg s5  }
0xab: {  	[dreg:$0x3] =	wrdreg s7  }
0xac: {  	[dreg:$0x4] =	wrdreg $0xC0  }
0xad: {  	_ =	task [dreg:s9], $0x5FFFF  }
0xae: {  	[dreg:$0x1] =	wrdreg $0xFFFFFFFF  }
0xaf: {  	[dreg:$0x0] =	wrdreg $0x60  }
0xb0: {  	[dreg:$0x2] =	wrdreg s18  }
0xb1: {  	[dreg:$0x3] =	wrdreg s2  }
0xb2: {  	[dreg:$0x4] =	wrdreg s24  }
0xb3: {  	[dreg:$0x5] =	wrdreg s4  }
0xb4: {  	[dreg:$0x6] =	wrdreg $0x9  }
0xb5: {  	_ =	task.clear_ibuf [dreg:s9], $0x7FFFF;
	_ =	strace $0x90000046  }
0xb6: {  	s29 =	simm.s32 $0x9;
	_ =	strace $0x80000048  }
0xb7: {  	_ =	swait.ge [sflag:s29], $0x1  }
0xb8: {  	[sflag:s29] =	ssyncadd.s32 $0xFFFFFFFF  }
0xb9: {  	_ =	strace $0x90000048  }
0xba: {  	_ =	sfence  }
0xbb: {  	s30 =	sld [smem:$0x0];
	_ =	sdelay $0x2  }
0xbc: {  	s31 =	sshll.u32 s1, $0xD;
	s1 =	sshrl.u32 s1, $0x2  }
0xbd: {  	s3 =	sand.u32 $0x4000, s31;
	s1 =	sadd.s32 s1, s30  }
0xbe: {  	s0 =	sor.u32 s3, s0;
	s1 =	sshll.u32 s1, $0x11  }
0xbf: {  	s0 =	sor.u32 s1, s0  }
0xc0: {  	s0 =	sadd.s32 $0x8F2B, s0  }
0xc1: {  	[sflag:s0] =	ssyncadd.remote.s32 $0x1  }
0xc2: {  	_ =	sfence.sel $0xFFFF  }
0xc3: {  	[dreg:$0x0] =	wrdreg $0xFFFFFFFF;
	(pc) =	sbr.abs _section_cstart, $3  }
0xc4: {  	[dreg:$0x1] =	wrdreg $0xFFFFFFFF  }
0xc5: {  	_ =	task.clear_ibuf [dreg:s9], $0x2FFFF;
	_ =	strace $0x9FFFFFFF  }
0xc6: {  	(tm) =	ssettm $0x7FFFFFFF  }
0xc7: {  	_ =	shalt  }
tec
execute0_lowered:
.L_overlay_start_1:
0x0: {  	(tag) =	ssettag $0x1  }
0x1: {  	s1 =	rddreg [dreg:$0x0]  }
0x2: {  	s5 =	rddreg [dreg:$0x1]  }
0x3: {  	s4 =	rddreg [dreg:$0x2]  }
0x4: {  	s6 =	rddreg [dreg:$0x3]  }
0x5: {  	s0 =	rddreg [dreg:$0x4];
	s3 =	simm.s32 $0x0;
	s7 =	srdreg.scid  }
0x6: {  	s2 =	stileid.u32;
	s11 =	simm.s32 $0x1;
	s12 =	simm.s32 $0x0  }
0x7: {  	[smem:$0x7FF] =	sst s3;
	s7 =	sand.u32 $0x1, s7;
	s8 =	sshll.u32 s2, $0xA  }
0x8: {  	s4 =	sadd.s32 $0x600, s4;
	s9 =	sshll.u32 s7, $0x9;
	s7 =	ssub.s32 $0x2, s7  }
0x9: {  	_ =	strace $0x80000047;
	s8 =	sor.u32 s9, s8;
	s31 =	sshrl.u32 s7, $0x1  }
0xa: {  	s9 =	simm.s32 $0x10200;
	s10 =	sshrl.u32 s8, $0x3;
	s8 =	sshll.u32 s8, $0x4  }
0xb: {  	s7 =	ssub.s32 s7, s31;
	s5 =	sadd.s32 s5, s10;
	s6 =	sadd.s32 s6, s8  }
0xc: {  	s7 =	smax.u32 s7, $0x1;
	s8 =	simm.s32 $0x2;
	s10 =	simm.s32 $0x200  }
.LBB2_1:
0xd: {  	[tilespmem:s3], [sflag:$0x2] =	stream.linear.gather [hbm4b:s5+s3], $0x200, $0x38;
	[tilespmem:$0x10280] =	vst v63  }
0xe: {  	_ =	swait.ge [sflag:s8], $0x200  }
0xf: {  	[sflag:s8] =	ssyncset.done $0x0  }
0x10: {  	[sflag:s8] =	ssyncadd.s32 $0xFFFFFE00  }
0x11: {  	[tilespmem:s9], [sflag:$0x2] =	stream.linear.gather [hbm4b:s4+s3], $0x80, $0x38;
	[tilespmem:$0x10280] =	vst v63  }
0x12: {  	_ =	swait.ge [sflag:s8], $0x80  }
0x13: {  	[sflag:s8] =	ssyncset.done $0x0  }
0x14: {  	[sflag:s8] =	ssyncadd.s32 $0xFFFFFF80  }
0x15: {  	[tilespmem:s10], [sflag:$0x1] =	stream.indirect.gather [hbm4b:s1+s10], $0x80, s3, s10, $0xb8;
	[tilespmem:$0x10280] =	vst v63  }
0x16: {  	_ =	swait.ge [sflag:s11], $0x10000  }
0x17: {  	[sflag:s11] =	ssyncset.done $0x0  }
0x18: {  	[sflag:s11] =	ssyncadd.s32 $0xFFFF0000  }
0x19: {  	v6 =	vld [tilespmem:$0x10200]  }
0x1a: {  	v7 =	vld [tilespmem:$0x10210]  }
0x1b: {  	v5 =	vld [tilespmem:$0x10220]  }
0x1c: {  	v4 =	vld [tilespmem:$0x10230]  }
0x1d: {  	v3 =	vld [tilespmem:$0x10240]  }
0x1e: {  	v2 =	vld [tilespmem:$0x10250]  }
0x1f: {  	v1 =	vld [tilespmem:$0x10260]  }
0x20: {  	s13 =	simm.s32 $0x0;
	v0 =	vld [tilespmem:$0x10270]  }
0x21: {  	v11 =	vld [tilespmem:s13+$0x200]  }
0x22: {  	v13 =	vld [tilespmem:s13+$0x210]  }
0x23: {  	v12 =	vld [tilespmem:s13+$0x220]  }
0x24: {  	v10 =	vld [tilespmem:s13+$0x230]  }
0x25: {  	v8 =	vld [tilespmem:s13+$0x240]  }
0x26: {  	v9 =	vld [tilespmem:s13+$0x250];
	v14 =	vsub.f32 v11, v6  }
0x27: {  	s14 =	simm.s32 $0x200;
	v13 =	vsub.f32 v13, v7;
	v11 =	vld [tilespmem:s13+$0x260]  }
.LBB2_2:
0x28: {  	s15 =	sshra.s32 s14, $0x2;
	p0 =	sne.s32 s14, $0x3FE00;
	[tilespmem:s13+$0x200] =	vst v14;
	v12 =	vsub.f32 v12, v5;
	v14 =	vld [tilespmem:s13+$0x270]  }
0x29: {  	v15 =	vld [tilespmem:s15+$0x200];
	[tilespmem:s13+$0x210] =	vst v13;
	v10 =	vsub.f32 v10, v4  }
0x2a: {  	v13 =	vld [tilespmem:s15+$0x210];
	[tilespmem:s13+$0x220] =	vst v12;
	v8 =	vsub.f32 v8, v3  }
.Ltmp0:
0x2b: {  	v12 =	vld [tilespmem:s15+$0x220];
	[tilespmem:s13+$0x230] =	vst v10;
	v9 =	vsub.f32 v9, v2;
	(pc) =	sbr.rel @p0 .LBB2_2-.Ltmp0, $4  }
0x2c: {  	v10 =	vld [tilespmem:s15+$0x230];
	[tilespmem:s13+$0x240] =	vst v8;
	v11 =	vsub.f32 v11, v1  }
0x2d: {  	v8 =	vld [tilespmem:s15+$0x240];
	[tilespmem:s13+$0x250] =	vst v9;
	v16 =	vsub.f32 v14, v0  }
0x2e: {  	v14 =	vsub.f32 v15, v6;
	v9 =	vld [tilespmem:s15+$0x250];
	[tilespmem:s13+$0x260] =	vst v11  }
0x2f: {  	s14 =	sadd.s32 $0x200, s14;
	v13 =	vsub.f32 v13, v7;
	v11 =	vld [tilespmem:s15+$0x260];
	[tilespmem:s13+$0x270] =	vst v16;
	s13 =	smov.u32 s15  }
0x30: {  	[tilespmem:s13+$0x200] =	vst v14;
	v5 =	vsub.f32 v12, v5;
	v6 =	vld [tilespmem:s13+$0x270]  }
0x31: {  	[tilespmem:s13+$0x210] =	vst v13;
	v4 =	vsub.f32 v10, v4  }
0x32: {  	[tilespmem:s13+$0x220] =	vst v5;
	v3 =	vsub.f32 v8, v3  }
0x33: {  	[tilespmem:s13+$0x230] =	vst v4;
	v2 =	vsub.f32 v9, v2  }
0x34: {  	[tilespmem:s13+$0x240] =	vst v3;
	v1 =	vsub.f32 v11, v1  }
0x35: {  	s12 =	sadd.s32 $0x1, s12;
	[tilespmem:s13+$0x250] =	vst v2;
	v0 =	vsub.f32 v6, v0  }
0x36: {  	p0 =	sne.s32 s12, s7;
	[tilespmem:s13+$0x260] =	vst v1  }
.Ltmp1:
0x37: {  	[tilespmem:s13+$0x270] =	vst v0;
	(pc) =	sbr.rel @p0 .LBB2_1-.Ltmp1, $4  }
0x38: {  	[hbm4b:s6+s3] =	stream.linear.scatter [tilespmem:s10], [sflag:$0x2], $0x10000, $0x38;
	[tilespmem:$0x10280] =	vst v63  }
0x39: {  	_ =	swait.ge [sflag:s8], $0x10000  }
0x3a: {  	[sflag:s8] =	ssyncset.done $0x0  }
0x3b: {  	[sflag:s8] =	ssyncadd.s32 $0xFFFF0000  }
0x3c: {  	_ =	sfence.sel $0x180000  }
0x3d: {  	[bflag:$0x0] =	sbarrier.arrive $0xFFFF  }
0x3e: {  	p0 =	sne.s32 s2, $0x0;
	_ =	strace $0x90000047  }
0x3f: {  	s0 =	sadd.s32 @!p0 $0x100000, s0;
	[bflag:$0x2] =	sbarrier.arrive $0xFFFF  }
0x40: {  	[sflag:s0] =	ssyncadd.tile.s32 @!p0 $0x1;
	_ =	shalt  }
.Lfunc_end2:
_tile_overlayer_lowered:
.L_overlay_start_2:
0x41: {  	(tag) =	ssettag $0x2  }
0x42: {  	s0 =	rddreg [dreg:$0x0];
	s2 =	stileid.u32  }
0x43: {  	s1 =	rddreg [dreg:$0x1];
	p0 =	sne.s32 s2, $0x0  }
0x44: {  	s3 =	rddreg [dreg:$0x2];
	[bflag:$0x3] =	sbarrier.arrive $0xFFFF;
	s2 =	simm.s32 @!p0 $0x1C02  }
0x45: {  	[timem:s3], [sflag:s2] =	dma.local @!p0 [hbm:s0], s1  }
0x46: {  	s0 =	simm.s32 @!p0 $0x2  }
0x47: {  	_ =	swait.ge @!p0 [sflag:s0], s1  }
0x48: {  	s1 =	ssub.s32 @!p0 $0x0, s1;
	[sflag:s0] =	ssyncset.done @!p0 $0x0  }
0x49: {  	[sflag:s0] =	ssyncadd.s32 @!p0 s1  }
0x4a: {  	[bflag:$0x3] =	sbarrier.arrive $0xFFFF  }
0x4b: {  	_ =	shalt  }

</sc_bundles>
